<compile_context>
chip_gen: v7x
topology: tpu7x:2x2x1
jax: 0.10.2.dev20260603
libtpu: 0.0.44.dev20260713+nightly
codegen_flags: <defaults>
</compile_context>

<pallas_src>
import functools

import jax
import jax.numpy as jnp
from jax import lax
from jax.experimental import pallas as pl
from jax.experimental.pallas import tpu as pltpu
from jax.experimental.pallas import tpu_sc as plsc

_K = 65536
_DIM = 128
_B = 16384
_PTR = 60000
_TAIL = _K - _PTR
_HEAD = _B - _TAIL
_MID = _PTR - _HEAD

_SC_INFO = plsc.get_sparse_core_info()
_SC_CORES = 1
_SC_WORKERS = _SC_CORES * _SC_INFO.num_subcores


_CH = 8192
_DEPTH = 6

_Z_CHUNKS = []
for _off in range(0, _TAIL, _CH):
    _Z_CHUNKS.append((0, _off, _PTR + _off, min(_CH, _TAIL - _off)))
for _off in range(0, _HEAD, _CH):
    _Z_CHUNKS.append((0, _TAIL + _off, _off, min(_CH, _HEAD - _off)))
for _off in range(0, _MID, _CH):
    _Z_CHUNKS.append((1, _HEAD + _off, _HEAD + _off, min(_CH, _MID - _off)))


def _z_body(z_new, z_buf, z_out, scratch, in_sem, out_sem):
    srcs = (z_new, z_buf)
    n_chunks = len(_Z_CHUNKS)

    def in_copy(k):
        s, so, _, n = _Z_CHUNKS[k]
        return pltpu.make_async_copy(
            srcs[s].at[pl.ds(so, n)],
            scratch.at[k % _DEPTH, pl.ds(0, n)],
            in_sem.at[k % _DEPTH])

    def out_copy(k):
        _, _, do, n = _Z_CHUNKS[k]
        return pltpu.make_async_copy(
            scratch.at[k % _DEPTH, pl.ds(0, n)],
            z_out.at[pl.ds(do, n)],
            out_sem.at[k % _DEPTH])

    for k in range(min(_DEPTH, n_chunks)):
        in_copy(k).start()
    for k in range(n_chunks):
        in_copy(k).wait()
        out_copy(k).start()
        if k + _DEPTH < n_chunks:
            out_copy(k).wait()
            in_copy(k + _DEPTH).start()
    for k in range(max(0, n_chunks - _DEPTH), n_chunks):
        out_copy(k).wait()


_SC_PIECE = 49152


def _split_task(so, do, n):
    pieces = -(-n // _SC_PIECE)
    step = -(-n // pieces // 8) * 8
    out = []
    off = 0
    while off < n:
        out.append((so + off, do + off, min(step, n - off)))
        off += step
    return out


def _sc_body(t_new, e_new, b_new, t_buf, e_buf, b_buf,
             t_out, e_out, b_out, fscr, iscr):
    wid = lax.axis_index("s") * _SC_CORES + lax.axis_index("c")
    pieces = []
    for new, buf, out, scr in ((t_new, t_buf, t_out, fscr),
                               (e_new, e_buf, e_out, fscr),
                               (b_new, b_buf, b_out, iscr)):
        for src, so, do, n in ((new, 0, _PTR, _TAIL),
                               (new, _TAIL, 0, _HEAD),
                               (buf, _HEAD, _HEAD, _MID)):
            for po, pd, pn in _split_task(so, do, n):
                pieces.append((src, po, out, pd, pn, scr))
    for k, (src, so, dst, do, n, scr) in enumerate(pieces):
        @pl.when(wid == k % _SC_WORKERS)
        def _():
            pltpu.sync_copy(src.at[pl.ds(so, n)], scr.at[pl.ds(0, n)])
            pltpu.sync_copy(scr.at[pl.ds(0, n)], dst.at[pl.ds(do, n)])


_sc_enqueue = functools.partial(
    pl.kernel,
    out_type=(
        jax.ShapeDtypeStruct((_K,), jnp.float32),
        jax.ShapeDtypeStruct((_K,), jnp.float32),
        jax.ShapeDtypeStruct((_K,), jnp.int32),
    ),
    mesh=plsc.VectorSubcoreMesh(core_axis_name="c", subcore_axis_name="s",
                                num_cores=_SC_CORES),
    scratch_types=[
        pltpu.VMEM((_SC_PIECE,), jnp.float32),
        pltpu.VMEM((_SC_PIECE,), jnp.int32),
    ],
)(_sc_body)


def kernel(z_new, t_new, e_new, b_new, z_buf, t_buf, e_buf, b_buf):
    t, e, b = _sc_enqueue(t_new, e_new, b_new, t_buf, e_buf, b_buf)
    z = pl.pallas_call(
        _z_body,
        out_shape=jax.ShapeDtypeStruct((_K, _DIM), jnp.float32),
        in_specs=[pl.BlockSpec(memory_space=pltpu.HBM)] * 2,
        out_specs=pl.BlockSpec(memory_space=pltpu.HBM),
        scratch_shapes=[
            pltpu.VMEM((_DEPTH, _CH, _DIM), jnp.float32),
            pltpu.SemaphoreType.DMA((_DEPTH,)),
            pltpu.SemaphoreType.DMA((_DEPTH,)),
        ],
    )(z_new, z_buf)
    new_ptr = jnp.asarray((_PTR + _B) % _K, dtype=jnp.int32)
    new_size = jnp.asarray(min(_B, _K), dtype=jnp.int32)
    return (z, t, e, b, new_ptr, new_size)

# --- scband reference (transcript-rebuilt; emitter-appended) ---
"""Pipeline reference for scband-survival-queue-5282809774104 (READ-ONLY COPY).

The authoritative reference and input builder live on the scoring server;
editing this copy changes nothing except your own understanding.
"""

import jax, jax.numpy as jnp
import numpy as np

K = 65536
DIM = 128
B = 16384
PTR = 60000  # forces wrap-around: PTR + B > K
SIZE = 0


def setup_inputs(seed: int = 0) -> dict:
    key = jax.random.key(seed)
    ks = jax.random.split(key, 4)
    return {
        "z_new": jax.random.normal(ks[0], (B, DIM), dtype=jnp.float32),
        "t_new": jax.random.uniform(ks[1], (B,), dtype=jnp.float32),
        "e_new": jax.random.uniform(ks[2], (B,), dtype=jnp.float32),
        "b_new": jax.random.randint(ks[3], (B,), 0, 1000, dtype=jnp.int32),
        # queue state buffers (registered buffers in the torch module)
        "z_buf": jnp.zeros((K, DIM), dtype=jnp.float32),
        "t_buf": jnp.zeros((K,), dtype=jnp.float32),
        "e_buf": jnp.zeros((K,), dtype=jnp.float32),
        "b_buf": jnp.zeros((K,), dtype=jnp.int32),
    }


def reference(z_new, t_new, e_new, b_new, z_buf, t_buf, e_buf, b_buf):
    # FIFO enqueue with wrap-around, expressed as a modular scatter-overwrite.
    # Equivalent to the torch `place` helper: buf[p:end]=src with wrap.
    Bn = z_new.shape[0]
    idx = (PTR + jnp.arange(Bn, dtype=jnp.int32)) % K
    z = z_buf.at[idx].set(z_new)
    t = t_buf.at[idx].set(t_new)
    e = e_buf.at[idx].set(e_new)
    b = b_buf.at[idx].set(b_new)
    new_ptr = jnp.asarray((PTR + Bn) % K, dtype=jnp.int32)
    new_size = jnp.asarray(min(SIZE + Bn, K), dtype=jnp.int32)
    return (z, t, e, b, new_ptr, new_size)

if __name__ == "__main__":
    import jax
    _d = setup_inputs()
    print(jax.jit(kernel)(*tuple(_d.values())))

</pallas_src>

<mosaic_0001>
#map = affine_map<(d0, d1) -> (0)>
module attributes {stable_mosaic.version = 14 : i64} {
  func.func @_sc_body(%arg0: i32, %arg1: i32, %arg2: memref<16384xf32, #tpu.memory_space<hbm>>, %arg3: memref<16384xf32, #tpu.memory_space<hbm>>, %arg4: memref<16384xi32, #tpu.memory_space<hbm>>, %arg5: memref<65536xf32, #tpu.memory_space<hbm>>, %arg6: memref<65536xf32, #tpu.memory_space<hbm>>, %arg7: memref<65536xi32, #tpu.memory_space<hbm>>, %arg8: memref<65536xf32, #tpu.memory_space<hbm>>, %arg9: memref<65536xf32, #tpu.memory_space<hbm>>, %arg10: memref<65536xi32, #tpu.memory_space<hbm>>, %arg11: memref<49152xf32, #tpu.memory_space<vmem>>, %arg12: memref<49152xi32, #tpu.memory_space<vmem>>) attributes {dimension_semantics = [#tpu.dimension_semantics<core_parallel>, #tpu.dimension_semantics<subcore_parallel>], iteration_bounds = array<i64: 1, 16>, scalar_prefetch = 0 : i64, scratch_operands = 2 : i64, tpu.core_type = #tpu.core_type<sc_vector_subcore>, window_params = [{transform_indices = #map}, {transform_indices = #map}, {transform_indices = #map}, {transform_indices = #map}, {transform_indices = #map}, {transform_indices = #map}, {transform_indices = #map}, {transform_indices = #map}, {transform_indices = #map}]} {
    %mul3A = arith.constant 1 : i32
    %mul3A_0 = arith.muli %arg1, %mul3A : i32
    %add3A = arith.addi %mul3A_0, %arg0 : i32
    %eq3A = arith.constant 0 : i32
    %eq3A_1 = arith.cmpi eq, %add3A, %eq3A : i32
    %convert_element_type3A = arith.extui %eq3A_1 : i1 to i32
    %cond3A = arith.constant 0 : i32
    %cond3A_2 = arith.cmpi ne, %convert_element_type3A, %cond3A : i32
    scf.if %cond3A_2 {
      "tpu.region"() ({
        %run_scoped3A = tpu.sem_alloc : memref<!tpu.dma_semaphore, #tpu.memory_space<semaphore_mem>>
        %dma_start3A = arith.constant 0 : i32
        %dma_start3A_43 = tpu.memref_slice %arg11[%dma_start3A] : memref<49152xf32, #tpu.memory_space<vmem>> -> memref<5536xf32, #tpu.memory_space<vmem>>
        %dma_start3A_44 = arith.constant 0 : i32
        %dma_start3A_45 = tpu.memref_slice %arg2[%dma_start3A_44] : memref<16384xf32, #tpu.memory_space<hbm>> -> memref<5536xf32, #tpu.memory_space<hbm>>
        %dma_start3A_46 = arith.constant 0 : i32
        %dma_start3A_47 = tpu.memref_slice %arg11[%dma_start3A_46] : memref<49152xf32, #tpu.memory_space<vmem>> -> memref<5536xf32, #tpu.memory_space<vmem>>
        %dma_start3A_48 = arith.constant 0 : i32
        %dma_start3A_49 = tpu.memref_slice %arg2[%dma_start3A_48] : memref<16384xf32, #tpu.memory_space<hbm>> -> memref<5536xf32, #tpu.memory_space<hbm>>
        tpu.enqueue_dma source(%dma_start3A_49 : memref<5536xf32, #tpu.memory_space<hbm>>) target(%dma_start3A_47 : memref<5536xf32, #tpu.memory_space<vmem>>) target_semaphore(%run_scoped3A : memref<!tpu.dma_semaphore, #tpu.memory_space<semaphore_mem>>)
        %dma_wait3A = arith.constant 0 : i32
        %dma_wait3A_50 = tpu.memref_slice %arg11[%dma_wait3A] : memref<49152xf32, #tpu.memory_space<vmem>> -> memref<5536xf32, #tpu.memory_space<vmem>>
        %dma_wait3A_51 = arith.constant 0 : i32
        %dma_wait3A_52 = tpu.memref_slice %arg2[%dma_wait3A_51] : memref<16384xf32, #tpu.memory_space<hbm>> -> memref<5536xf32, #tpu.memory_space<hbm>>
        %dma_wait3A_53 = arith.constant 0 : i32
        %dma_wait3A_54 = tpu.memref_slice %arg11[%dma_wait3A_53] : memref<49152xf32, #tpu.memory_space<vmem>> -> memref<5536xf32, #tpu.memory_space<vmem>>
        %dma_wait3A_55 = arith.constant 0 : i32
        %dma_wait3A_56 = tpu.memref_slice %arg2[%dma_wait3A_55] : memref<16384xf32, #tpu.memory_space<hbm>> -> memref<5536xf32, #tpu.memory_space<hbm>>
        tpu.wait_dma2 semaphore(%run_scoped3A : memref<!tpu.dma_semaphore, #tpu.memory_space<semaphore_mem>>) src(%dma_wait3A_56 : memref<5536xf32, #tpu.memory_space<hbm>>) dst(%dma_wait3A_54 : memref<5536xf32, #tpu.memory_space<vmem>>)
        tpu.yield
      }) : () -> ()
      "tpu.region"() ({
        %run_scoped3A = tpu.sem_alloc : memref<!tpu.dma_semaphore, #tpu.memory_space<semaphore_mem>>
        %dma_start3A = arith.constant 0 : i32
        %dma_start3A_43 = tpu.memref_slice %arg11[%dma_start3A] : memref<49152xf32, #tpu.memory_space<vmem>> -> memref<5536xf32, #tpu.memory_space<vmem>>
        %dma_start3A_44 = arith.constant 60000 : i32
        %dma_start3A_45 = tpu.memref_slice %arg8[%dma_start3A_44] : memref<65536xf32, #tpu.memory_space<hbm>> -> memref<5536xf32, #tpu.memory_space<hbm>>
        %dma_start3A_46 = arith.constant 60000 : i32
        %dma_start3A_47 = tpu.memref_slice %arg8[%dma_start3A_46] : memref<65536xf32, #tpu.memory_space<hbm>> -> memref<5536xf32, #tpu.memory_space<hbm>>
        %dma_start3A_48 = arith.constant 0 : i32
        %dma_start3A_49 = tpu.memref_slice %arg11[%dma_start3A_48] : memref<49152xf32, #tpu.memory_space<vmem>> -> memref<5536xf32, #tpu.memory_space<vmem>>
        tpu.enqueue_dma source(%dma_start3A_49 : memref<5536xf32, #tpu.memory_space<vmem>>) target(%dma_start3A_47 : memref<5536xf32, #tpu.memory_space<hbm>>) target_semaphore(%run_scoped3A : memref<!tpu.dma_semaphore, #tpu.memory_space<semaphore_mem>>)
        %dma_wait3A = arith.constant 0 : i32
        %dma_wait3A_50 = tpu.memref_slice %arg11[%dma_wait3A] : memref<49152xf32, #tpu.memory_space<vmem>> -> memref<5536xf32, #tpu.memory_space<vmem>>
        %dma_wait3A_51 = arith.constant 60000 : i32
        %dma_wait3A_52 = tpu.memref_slice %arg8[%dma_wait3A_51] : memref<65536xf32, #tpu.memory_space<hbm>> -> memref<5536xf32, #tpu.memory_space<hbm>>
        %dma_wait3A_53 = arith.constant 60000 : i32
        %dma_wait3A_54 = tpu.memref_slice %arg8[%dma_wait3A_53] : memref<65536xf32, #tpu.memory_space<hbm>> -> memref<5536xf32, #tpu.memory_space<hbm>>
        %dma_wait3A_55 = arith.constant 0 : i32
        %dma_wait3A_56 = tpu.memref_slice %arg11[%dma_wait3A_55] : memref<49152xf32, #tpu.memory_space<vmem>> -> memref<5536xf32, #tpu.memory_space<vmem>>
        tpu.wait_dma2 semaphore(%run_scoped3A : memref<!tpu.dma_semaphore, #tpu.memory_space<semaphore_mem>>) src(%dma_wait3A_56 : memref<5536xf32, #tpu.memory_space<vmem>>) dst(%dma_wait3A_54 : memref<5536xf32, #tpu.memory_space<hbm>>)
        tpu.yield
      }) : () -> ()
    } else {
    }
    %eq3A_3 = arith.constant 1 : i32
    %eq3A_4 = arith.cmpi eq, %add3A, %eq3A_3 : i32
    %convert_element_type3A_5 = arith.extui %eq3A_4 : i1 to i32
    %cond3A_6 = arith.constant 0 : i32
    %cond3A_7 = arith.cmpi ne, %convert_element_type3A_5, %cond3A_6 : i32
    scf.if %cond3A_7 {
      "tpu.region"() ({
        %run_scoped3A = tpu.sem_alloc : memref<!tpu.dma_semaphore, #tpu.memory_space<semaphore_mem>>
        %dma_start3A = arith.constant 0 : i32
        %dma_start3A_43 = tpu.memref_slice %arg11[%dma_start3A] : memref<49152xf32, #tpu.memory_space<vmem>> -> memref<10848xf32, #tpu.memory_space<vmem>>
        %dma_start3A_44 = arith.constant 5536 : i32
        %dma_start3A_45 = tpu.memref_slice %arg2[%dma_start3A_44] : memref<16384xf32, #tpu.memory_space<hbm>> -> memref<10848xf32, #tpu.memory_space<hbm>>
        %dma_start3A_46 = arith.constant 0 : i32
        %dma_start3A_47 = tpu.memref_slice %arg11[%dma_start3A_46] : memref<49152xf32, #tpu.memory_space<vmem>> -> memref<10848xf32, #tpu.memory_space<vmem>>
        %dma_start3A_48 = arith.constant 5536 : i32
        %dma_start3A_49 = tpu.memref_slice %arg2[%dma_start3A_48] : memref<16384xf32, #tpu.memory_space<hbm>> -> memref<10848xf32, #tpu.memory_space<hbm>>
        tpu.enqueue_dma source(%dma_start3A_49 : memref<10848xf32, #tpu.memory_space<hbm>>) target(%dma_start3A_47 : memref<10848xf32, #tpu.memory_space<vmem>>) target_semaphore(%run_scoped3A : memref<!tpu.dma_semaphore, #tpu.memory_space<semaphore_mem>>)
        %dma_wait3A = arith.constant 0 : i32
        %dma_wait3A_50 = tpu.memref_slice %arg11[%dma_wait3A] : memref<49152xf32, #tpu.memory_space<vmem>> -> memref<10848xf32, #tpu.memory_space<vmem>>
        %dma_wait3A_51 = arith.constant 5536 : i32
        %dma_wait3A_52 = tpu.memref_slice %arg2[%dma_wait3A_51] : memref<16384xf32, #tpu.memory_space<hbm>> -> memref<10848xf32, #tpu.memory_space<hbm>>
        %dma_wait3A_53 = arith.constant 0 : i32
        %dma_wait3A_54 = tpu.memref_slice %arg11[%dma_wait3A_53] : memref<49152xf32, #tpu.memory_space<vmem>> -> memref<10848xf32, #tpu.memory_space<vmem>>
        %dma_wait3A_55 = arith.constant 5536 : i32
        %dma_wait3A_56 = tpu.memref_slice %arg2[%dma_wait3A_55] : memref<16384xf32, #tpu.memory_space<hbm>> -> memref<10848xf32, #tpu.memory_space<hbm>>
        tpu.wait_dma2 semaphore(%run_scoped3A : memref<!tpu.dma_semaphore, #tpu.memory_space<semaphore_mem>>) src(%dma_wait3A_56 : memref<10848xf32, #tpu.memory_space<hbm>>) dst(%dma_wait3A_54 : memref<10848xf32, #tpu.memory_space<vmem>>)
        tpu.yield
      }) : () -> ()
      "tpu.region"() ({
        %run_scoped3A = tpu.sem_alloc : memref<!tpu.dma_semaphore, #tpu.memory_space<semaphore_mem>>
        %dma_start3A = arith.constant 0 : i32
        %dma_start3A_43 = tpu.memref_slice %arg11[%dma_start3A] : memref<49152xf32, #tpu.memory_space<vmem>> -> memref<10848xf32, #tpu.memory_space<vmem>>
        %dma_start3A_44 = arith.constant 0 : i32
        %dma_start3A_45 = tpu.memref_slice %arg8[%dma_start3A_44] : memref<65536xf32, #tpu.memory_space<hbm>> -> memref<10848xf32, #tpu.memory_space<hbm>>
        %dma_start3A_46 = arith.constant 0 : i32
        %dma_start3A_47 = tpu.memref_slice %arg8[%dma_start3A_46] : memref<65536xf32, #tpu.memory_space<hbm>> -> memref<10848xf32, #tpu.memory_space<hbm>>
        %dma_start3A_48 = arith.constant 0 : i32
        %dma_start3A_49 = tpu.memref_slice %arg11[%dma_start3A_48] : memref<49152xf32, #tpu.memory_space<vmem>> -> memref<10848xf32, #tpu.memory_space<vmem>>
        tpu.enqueue_dma source(%dma_start3A_49 : memref<10848xf32, #tpu.memory_space<vmem>>) target(%dma_start3A_47 : memref<10848xf32, #tpu.memory_space<hbm>>) target_semaphore(%run_scoped3A : memref<!tpu.dma_semaphore, #tpu.memory_space<semaphore_mem>>)
        %dma_wait3A = arith.constant 0 : i32
        %dma_wait3A_50 = tpu.memref_slice %arg11[%dma_wait3A] : memref<49152xf32, #tpu.memory_space<vmem>> -> memref<10848xf32, #tpu.memory_space<vmem>>
        %dma_wait3A_51 = arith.constant 0 : i32
        %dma_wait3A_52 = tpu.memref_slice %arg8[%dma_wait3A_51] : memref<65536xf32, #tpu.memory_space<hbm>> -> memref<10848xf32, #tpu.memory_space<hbm>>
        %dma_wait3A_53 = arith.constant 0 : i32
        %dma_wait3A_54 = tpu.memref_slice %arg8[%dma_wait3A_53] : memref<65536xf32, #tpu.memory_space<hbm>> -> memref<10848xf32, #tpu.memory_space<hbm>>
        %dma_wait3A_55 = arith.constant 0 : i32
        %dma_wait3A_56 = tpu.memref_slice %arg11[%dma_wait3A_55] : memref<49152xf32, #tpu.memory_space<vmem>> -> memref<10848xf32, #tpu.memory_space<vmem>>
        tpu.wait_dma2 semaphore(%run_scoped3A : memref<!tpu.dma_semaphore, #tpu.memory_space<semaphore_mem>>) src(%dma_wait3A_56 : memref<10848xf32, #tpu.memory_space<vmem>>) dst(%dma_wait3A_54 : memref<10848xf32, #tpu.memory_space<hbm>>)
        tpu.yield
      }) : () -> ()
    } else {
    }
    %eq3A_8 = arith.constant 2 : i32
    %eq3A_9 = arith.cmpi eq, %add3A, %eq3A_8 : i32
    %convert_element_type3A_10 = arith.extui %eq3A_9 : i1 to i32
    %cond3A_11 = arith.constant 0 : i32
    %cond3A_12 = arith.cmpi ne, %convert_element_type3A_10, %cond3A_11 : i32
    scf.if %cond3A_12 {
      "tpu.region"() ({
        %run_scoped3A = tpu.sem_alloc : memref<!tpu.dma_semaphore, #tpu.memory_space<semaphore_mem>>
        %dma_start3A = arith.constant 0 : i32
        %dma_start3A_43 = tpu.memref_slice %arg11[%dma_start3A] : memref<49152xf32, #tpu.memory_space<vmem>> -> memref<49152xf32, #tpu.memory_space<vmem>>
        %dma_start3A_44 = arith.constant 10848 : i32
        %dma_start3A_45 = tpu.memref_slice %arg5[%dma_start3A_44] : memref<65536xf32, #tpu.memory_space<hbm>> -> memref<49152xf32, #tpu.memory_space<hbm>>
        %dma_start3A_46 = arith.constant 0 : i32
        %dma_start3A_47 = tpu.memref_slice %arg11[%dma_start3A_46] : memref<49152xf32, #tpu.memory_space<vmem>> -> memref<49152xf32, #tpu.memory_space<vmem>>
        %dma_start3A_48 = arith.constant 10848 : i32
        %dma_start3A_49 = tpu.memref_slice %arg5[%dma_start3A_48] : memref<65536xf32, #tpu.memory_space<hbm>> -> memref<49152xf32, #tpu.memory_space<hbm>>
        tpu.enqueue_dma source(%dma_start3A_49 : memref<49152xf32, #tpu.memory_space<hbm>>) target(%dma_start3A_47 : memref<49152xf32, #tpu.memory_space<vmem>>) target_semaphore(%run_scoped3A : memref<!tpu.dma_semaphore, #tpu.memory_space<semaphore_mem>>)
        %dma_wait3A = arith.constant 0 : i32
        %dma_wait3A_50 = tpu.memref_slice %arg11[%dma_wait3A] : memref<49152xf32, #tpu.memory_space<vmem>> -> memref<49152xf32, #tpu.memory_space<vmem>>
        %dma_wait3A_51 = arith.constant 10848 : i32
        %dma_wait3A_52 = tpu.memref_slice %arg5[%dma_wait3A_51] : memref<65536xf32, #tpu.memory_space<hbm>> -> memref<49152xf32, #tpu.memory_space<hbm>>
        %dma_wait3A_53 = arith.constant 0 : i32
        %dma_wait3A_54 = tpu.memref_slice %arg11[%dma_wait3A_53] : memref<49152xf32, #tpu.memory_space<vmem>> -> memref<49152xf32, #tpu.memory_space<vmem>>
        %dma_wait3A_55 = arith.constant 10848 : i32
        %dma_wait3A_56 = tpu.memref_slice %arg5[%dma_wait3A_55] : memref<65536xf32, #tpu.memory_space<hbm>> -> memref<49152xf32, #tpu.memory_space<hbm>>
        tpu.wait_dma2 semaphore(%run_scoped3A : memref<!tpu.dma_semaphore, #tpu.memory_space<semaphore_mem>>) src(%dma_wait3A_56 : memref<49152xf32, #tpu.memory_space<hbm>>) dst(%dma_wait3A_54 : memref<49152xf32, #tpu.memory_space<vmem>>)
        tpu.yield
      }) : () -> ()
      "tpu.region"() ({
        %run_scoped3A = tpu.sem_alloc : memref<!tpu.dma_semaphore, #tpu.memory_space<semaphore_mem>>
        %dma_start3A = arith.constant 0 : i32
        %dma_start3A_43 = tpu.memref_slice %arg11[%dma_start3A] : memref<49152xf32, #tpu.memory_space<vmem>> -> memref<49152xf32, #tpu.memory_space<vmem>>
        %dma_start3A_44 = arith.constant 10848 : i32
        %dma_start3A_45 = tpu.memref_slice %arg8[%dma_start3A_44] : memref<65536xf32, #tpu.memory_space<hbm>> -> memref<49152xf32, #tpu.memory_space<hbm>>
        %dma_start3A_46 = arith.constant 10848 : i32
        %dma_start3A_47 = tpu.memref_slice %arg8[%dma_start3A_46] : memref<65536xf32, #tpu.memory_space<hbm>> -> memref<49152xf32, #tpu.memory_space<hbm>>
        %dma_start3A_48 = arith.constant 0 : i32
        %dma_start3A_49 = tpu.memref_slice %arg11[%dma_start3A_48] : memref<49152xf32, #tpu.memory_space<vmem>> -> memref<49152xf32, #tpu.memory_space<vmem>>
        tpu.enqueue_dma source(%dma_start3A_49 : memref<49152xf32, #tpu.memory_space<vmem>>) target(%dma_start3A_47 : memref<49152xf32, #tpu.memory_space<hbm>>) target_semaphore(%run_scoped3A : memref<!tpu.dma_semaphore, #tpu.memory_space<semaphore_mem>>)
        %dma_wait3A = arith.constant 0 : i32
        %dma_wait3A_50 = tpu.memref_slice %arg11[%dma_wait3A] : memref<49152xf32, #tpu.memory_space<vmem>> -> memref<49152xf32, #tpu.memory_space<vmem>>
        %dma_wait3A_51 = arith.constant 10848 : i32
        %dma_wait3A_52 = tpu.memref_slice %arg8[%dma_wait3A_51] : memref<65536xf32, #tpu.memory_space<hbm>> -> memref<49152xf32, #tpu.memory_space<hbm>>
        %dma_wait3A_53 = arith.constant 10848 : i32
        %dma_wait3A_54 = tpu.memref_slice %arg8[%dma_wait3A_53] : memref<65536xf32, #tpu.memory_space<hbm>> -> memref<49152xf32, #tpu.memory_space<hbm>>
        %dma_wait3A_55 = arith.constant 0 : i32
        %dma_wait3A_56 = tpu.memref_slice %arg11[%dma_wait3A_55] : memref<49152xf32, #tpu.memory_space<vmem>> -> memref<49152xf32, #tpu.memory_space<vmem>>
        tpu.wait_dma2 semaphore(%run_scoped3A : memref<!tpu.dma_semaphore, #tpu.memory_space<semaphore_mem>>) src(%dma_wait3A_56 : memref<49152xf32, #tpu.memory_space<vmem>>) dst(%dma_wait3A_54 : memref<49152xf32, #tpu.memory_space<hbm>>)
        tpu.yield
      }) : () -> ()
    } else {
    }
    %eq3A_13 = arith.constant 3 : i32
    %eq3A_14 = arith.cmpi eq, %add3A, %eq3A_13 : i32
    %convert_element_type3A_15 = arith.extui %eq3A_14 : i1 to i32
    %cond3A_16 = arith.constant 0 : i32
    %cond3A_17 = arith.cmpi ne, %convert_element_type3A_15, %cond3A_16 : i32
    scf.if %cond3A_17 {
      "tpu.region"() ({
        %run_scoped3A = tpu.sem_alloc : memref<!tpu.dma_semaphore, #tpu.memory_space<semaphore_mem>>
        %dma_start3A = arith.constant 0 : i32
        %dma_start3A_43 = tpu.memref_slice %arg11[%dma_start3A] : memref<49152xf32, #tpu.memory_space<vmem>> -> memref<5536xf32, #tpu.memory_space<vmem>>
        %dma_start3A_44 = arith.constant 0 : i32
        %dma_start3A_45 = tpu.memref_slice %arg3[%dma_start3A_44] : memref<16384xf32, #tpu.memory_space<hbm>> -> memref<5536xf32, #tpu.memory_space<hbm>>
        %dma_start3A_46 = arith.constant 0 : i32
        %dma_start3A_47 = tpu.memref_slice %arg11[%dma_start3A_46] : memref<49152xf32, #tpu.memory_space<vmem>> -> memref<5536xf32, #tpu.memory_space<vmem>>
        %dma_start3A_48 = arith.constant 0 : i32
        %dma_start3A_49 = tpu.memref_slice %arg3[%dma_start3A_48] : memref<16384xf32, #tpu.memory_space<hbm>> -> memref<5536xf32, #tpu.memory_space<hbm>>
        tpu.enqueue_dma source(%dma_start3A_49 : memref<5536xf32, #tpu.memory_space<hbm>>) target(%dma_start3A_47 : memref<5536xf32, #tpu.memory_space<vmem>>) target_semaphore(%run_scoped3A : memref<!tpu.dma_semaphore, #tpu.memory_space<semaphore_mem>>)
        %dma_wait3A = arith.constant 0 : i32
        %dma_wait3A_50 = tpu.memref_slice %arg11[%dma_wait3A] : memref<49152xf32, #tpu.memory_space<vmem>> -> memref<5536xf32, #tpu.memory_space<vmem>>
        %dma_wait3A_51 = arith.constant 0 : i32
        %dma_wait3A_52 = tpu.memref_slice %arg3[%dma_wait3A_51] : memref<16384xf32, #tpu.memory_space<hbm>> -> memref<5536xf32, #tpu.memory_space<hbm>>
        %dma_wait3A_53 = arith.constant 0 : i32
        %dma_wait3A_54 = tpu.memref_slice %arg11[%dma_wait3A_53] : memref<49152xf32, #tpu.memory_space<vmem>> -> memref<5536xf32, #tpu.memory_space<vmem>>
        %dma_wait3A_55 = arith.constant 0 : i32
        %dma_wait3A_56 = tpu.memref_slice %arg3[%dma_wait3A_55] : memref<16384xf32, #tpu.memory_space<hbm>> -> memref<5536xf32, #tpu.memory_space<hbm>>
        tpu.wait_dma2 semaphore(%run_scoped3A : memref<!tpu.dma_semaphore, #tpu.memory_space<semaphore_mem>>) src(%dma_wait3A_56 : memref<5536xf32, #tpu.memory_space<hbm>>) dst(%dma_wait3A_54 : memref<5536xf32, #tpu.memory_space<vmem>>)
        tpu.yield
      }) : () -> ()
      "tpu.region"() ({
        %run_scoped3A = tpu.sem_alloc : memref<!tpu.dma_semaphore, #tpu.memory_space<semaphore_mem>>
        %dma_start3A = arith.constant 0 : i32
        %dma_start3A_43 = tpu.memref_slice %arg11[%dma_start3A] : memref<49152xf32, #tpu.memory_space<vmem>> -> memref<5536xf32, #tpu.memory_space<vmem>>
        %dma_start3A_44 = arith.constant 60000 : i32
        %dma_start3A_45 = tpu.memref_slice %arg9[%dma_start3A_44] : memref<65536xf32, #tpu.memory_space<hbm>> -> memref<5536xf32, #tpu.memory_space<hbm>>
        %dma_start3A_46 = arith.constant 60000 : i32
        %dma_start3A_47 = tpu.memref_slice %arg9[%dma_start3A_46] : memref<65536xf32, #tpu.memory_space<hbm>> -> memref<5536xf32, #tpu.memory_space<hbm>>
        %dma_start3A_48 = arith.constant 0 : i32
        %dma_start3A_49 = tpu.memref_slice %arg11[%dma_start3A_48] : memref<49152xf32, #tpu.memory_space<vmem>> -> memref<5536xf32, #tpu.memory_space<vmem>>
        tpu.enqueue_dma source(%dma_start3A_49 : memref<5536xf32, #tpu.memory_space<vmem>>) target(%dma_start3A_47 : memref<5536xf32, #tpu.memory_space<hbm>>) target_semaphore(%run_scoped3A : memref<!tpu.dma_semaphore, #tpu.memory_space<semaphore_mem>>)
        %dma_wait3A = arith.constant 0 : i32
        %dma_wait3A_50 = tpu.memref_slice %arg11[%dma_wait3A] : memref<49152xf32, #tpu.memory_space<vmem>> -> memref<5536xf32, #tpu.memory_space<vmem>>
        %dma_wait3A_51 = arith.constant 60000 : i32
        %dma_wait3A_52 = tpu.memref_slice %arg9[%dma_wait3A_51] : memref<65536xf32, #tpu.memory_space<hbm>> -> memref<5536xf32, #tpu.memory_space<hbm>>
        %dma_wait3A_53 = arith.constant 60000 : i32
        %dma_wait3A_54 = tpu.memref_slice %arg9[%dma_wait3A_53] : memref<65536xf32, #tpu.memory_space<hbm>> -> memref<5536xf32, #tpu.memory_space<hbm>>
        %dma_wait3A_55 = arith.constant 0 : i32
        %dma_wait3A_56 = tpu.memref_slice %arg11[%dma_wait3A_55] : memref<49152xf32, #tpu.memory_space<vmem>> -> memref<5536xf32, #tpu.memory_space<vmem>>
        tpu.wait_dma2 semaphore(%run_scoped3A : memref<!tpu.dma_semaphore, #tpu.memory_space<semaphore_mem>>) src(%dma_wait3A_56 : memref<5536xf32, #tpu.memory_space<vmem>>) dst(%dma_wait3A_54 : memref<5536xf32, #tpu.memory_space<hbm>>)
        tpu.yield
      }) : () -> ()
    } else {
    }
    %eq3A_18 = arith.constant 4 : i32
    %eq3A_19 = arith.cmpi eq, %add3A, %eq3A_18 : i32
    %convert_element_type3A_20 = arith.extui %eq3A_19 : i1 to i32
    %cond3A_21 = arith.constant 0 : i32
    %cond3A_22 = arith.cmpi ne, %convert_element_type3A_20, %cond3A_21 : i32
    scf.if %cond3A_22 {
      "tpu.region"() ({
        %run_scoped3A = tpu.sem_alloc : memref<!tpu.dma_semaphore, #tpu.memory_space<semaphore_mem>>
        %dma_start3A = arith.constant 0 : i32
        %dma_start3A_43 = tpu.memref_slice %arg11[%dma_start3A] : memref<49152xf32, #tpu.memory_space<vmem>> -> memref<10848xf32, #tpu.memory_space<vmem>>
        %dma_start3A_44 = arith.constant 5536 : i32
        %dma_start3A_45 = tpu.memref_slice %arg3[%dma_start3A_44] : memref<16384xf32, #tpu.memory_space<hbm>> -> memref<10848xf32, #tpu.memory_space<hbm>>
        %dma_start3A_46 = arith.constant 0 : i32
        %dma_start3A_47 = tpu.memref_slice %arg11[%dma_start3A_46] : memref<49152xf32, #tpu.memory_space<vmem>> -> memref<10848xf32, #tpu.memory_space<vmem>>
        %dma_start3A_48 = arith.constant 5536 : i32
        %dma_start3A_49 = tpu.memref_slice %arg3[%dma_start3A_48] : memref<16384xf32, #tpu.memory_space<hbm>> -> memref<10848xf32, #tpu.memory_space<hbm>>
        tpu.enqueue_dma source(%dma_start3A_49 : memref<10848xf32, #tpu.memory_space<hbm>>) target(%dma_start3A_47 : memref<10848xf32, #tpu.memory_space<vmem>>) target_semaphore(%run_scoped3A : memref<!tpu.dma_semaphore, #tpu.memory_space<semaphore_mem>>)
        %dma_wait3A = arith.constant 0 : i32
        %dma_wait3A_50 = tpu.memref_slice %arg11[%dma_wait3A] : memref<49152xf32, #tpu.memory_space<vmem>> -> memref<10848xf32, #tpu.memory_space<vmem>>
        %dma_wait3A_51 = arith.constant 5536 : i32
        %dma_wait3A_52 = tpu.memref_slice %arg3[%dma_wait3A_51] : memref<16384xf32, #tpu.memory_space<hbm>> -> memref<10848xf32, #tpu.memory_space<hbm>>
        %dma_wait3A_53 = arith.constant 0 : i32
        %dma_wait3A_54 = tpu.memref_slice %arg11[%dma_wait3A_53] : memref<49152xf32, #tpu.memory_space<vmem>> -> memref<10848xf32, #tpu.memory_space<vmem>>
        %dma_wait3A_55 = arith.constant 5536 : i32
        %dma_wait3A_56 = tpu.memref_slice %arg3[%dma_wait3A_55] : memref<16384xf32, #tpu.memory_space<hbm>> -> memref<10848xf32, #tpu.memory_space<hbm>>
        tpu.wait_dma2 semaphore(%run_scoped3A : memref<!tpu.dma_semaphore, #tpu.memory_space<semaphore_mem>>) src(%dma_wait3A_56 : memref<10848xf32, #tpu.memory_space<hbm>>) dst(%dma_wait3A_54 : memref<10848xf32, #tpu.memory_space<vmem>>)
        tpu.yield
      }) : () -> ()
      "tpu.region"() ({
        %run_scoped3A = tpu.sem_alloc : memref<!tpu.dma_semaphore, #tpu.memory_space<semaphore_mem>>
        %dma_start3A = arith.constant 0 : i32
        %dma_start3A_43 = tpu.memref_slice %arg11[%dma_start3A] : memref<49152xf32, #tpu.memory_space<vmem>> -> memref<10848xf32, #tpu.memory_space<vmem>>
        %dma_start3A_44 = arith.constant 0 : i32
        %dma_start3A_45 = tpu.memref_slice %arg9[%dma_start3A_44] : memref<65536xf32, #tpu.memory_space<hbm>> -> memref<10848xf32, #tpu.memory_space<hbm>>
        %dma_start3A_46 = arith.constant 0 : i32
        %dma_start3A_47 = tpu.memref_slice %arg9[%dma_start3A_46] : memref<65536xf32, #tpu.memory_space<hbm>> -> memref<10848xf32, #tpu.memory_space<hbm>>
        %dma_start3A_48 = arith.constant 0 : i32
        %dma_start3A_49 = tpu.memref_slice %arg11[%dma_start3A_48] : memref<49152xf32, #tpu.memory_space<vmem>> -> memref<10848xf32, #tpu.memory_space<vmem>>
        tpu.enqueue_dma source(%dma_start3A_49 : memref<10848xf32, #tpu.memory_space<vmem>>) target(%dma_start3A_47 : memref<10848xf32, #tpu.memory_space<hbm>>) target_semaphore(%run_scoped3A : memref<!tpu.dma_semaphore, #tpu.memory_space<semaphore_mem>>)
        %dma_wait3A = arith.constant 0 : i32
        %dma_wait3A_50 = tpu.memref_slice %arg11[%dma_wait3A] : memref<49152xf32, #tpu.memory_space<vmem>> -> memref<10848xf32, #tpu.memory_space<vmem>>
        %dma_wait3A_51 = arith.constant 0 : i32
        %dma_wait3A_52 = tpu.memref_slice %arg9[%dma_wait3A_51] : memref<65536xf32, #tpu.memory_space<hbm>> -> memref<10848xf32, #tpu.memory_space<hbm>>
        %dma_wait3A_53 = arith.constant 0 : i32
        %dma_wait3A_54 = tpu.memref_slice %arg9[%dma_wait3A_53] : memref<65536xf32, #tpu.memory_space<hbm>> -> memref<10848xf32, #tpu.memory_space<hbm>>
        %dma_wait3A_55 = arith.constant 0 : i32
        %dma_wait3A_56 = tpu.memref_slice %arg11[%dma_wait3A_55] : memref<49152xf32, #tpu.memory_space<vmem>> -> memref<10848xf32, #tpu.memory_space<vmem>>
        tpu.wait_dma2 semaphore(%run_scoped3A : memref<!tpu.dma_semaphore, #tpu.memory_space<semaphore_mem>>) src(%dma_wait3A_56 : memref<10848xf32, #tpu.memory_space<vmem>>) dst(%dma_wait3A_54 : memref<10848xf32, #tpu.memory_space<hbm>>)
        tpu.yield
      }) : () -> ()
    } else {
    }
    %eq3A_23 = arith.constant 5 : i32
    %eq3A_24 = arith.cmpi eq, %add3A, %eq3A_23 : i32
    %convert_element_type3A_25 = arith.extui %eq3A_24 : i1 to i32
    %cond3A_26 = arith.constant 0 : i32
    %cond3A_27 = arith.cmpi ne, %convert_element_type3A_25, %cond3A_26 : i32
    scf.if %cond3A_27 {
      "tpu.region"() ({
        %run_scoped3A = tpu.sem_alloc : memref<!tpu.dma_semaphore, #tpu.memory_space<semaphore_mem>>
        %dma_start3A = arith.constant 0 : i32
        %dma_start3A_43 = tpu.memref_slice %arg11[%dma_start3A] : memref<49152xf32, #tpu.memory_space<vmem>> -> memref<49152xf32, #tpu.memory_space<vmem>>
        %dma_start3A_44 = arith.constant 10848 : i32
        %dma_start3A_45 = tpu.memref_slice %arg6[%dma_start3A_44] : memref<65536xf32, #tpu.memory_space<hbm>> -> memref<49152xf32, #tpu.memory_space<hbm>>
        %dma_start3A_46 = arith.constant 0 : i32
        %dma_start3A_47 = tpu.memref_slice %arg11[%dma_start3A_46] : memref<49152xf32, #tpu.memory_space<vmem>> -> memref<49152xf32, #tpu.memory_space<vmem>>
        %dma_start3A_48 = arith.constant 10848 : i32
        %dma_start3A_49 = tpu.memref_slice %arg6[%dma_start3A_48] : memref<65536xf32, #tpu.memory_space<hbm>> -> memref<49152xf32, #tpu.memory_space<hbm>>
        tpu.enqueue_dma source(%dma_start3A_49 : memref<49152xf32, #tpu.memory_space<hbm>>) target(%dma_start3A_47 : memref<49152xf32, #tpu.memory_space<vmem>>) target_semaphore(%run_scoped3A : memref<!tpu.dma_semaphore, #tpu.memory_space<semaphore_mem>>)
        %dma_wait3A = arith.constant 0 : i32
        %dma_wait3A_50 = tpu.memref_slice %arg11[%dma_wait3A] : memref<49152xf32, #tpu.memory_space<vmem>> -> memref<49152xf32, #tpu.memory_space<vmem>>
        %dma_wait3A_51 = arith.constant 10848 : i32
        %dma_wait3A_52 = tpu.memref_slice %arg6[%dma_wait3A_51] : memref<65536xf32, #tpu.memory_space<hbm>> -> memref<49152xf32, #tpu.memory_space<hbm>>
        %dma_wait3A_53 = arith.constant 0 : i32
        %dma_wait3A_54 = tpu.memref_slice %arg11[%dma_wait3A_53] : memref<49152xf32, #tpu.memory_space<vmem>> -> memref<49152xf32, #tpu.memory_space<vmem>>
        %dma_wait3A_55 = arith.constant 10848 : i32
        %dma_wait3A_56 = tpu.memref_slice %arg6[%dma_wait3A_55] : memref<65536xf32, #tpu.memory_space<hbm>> -> memref<49152xf32, #tpu.memory_space<hbm>>
        tpu.wait_dma2 semaphore(%run_scoped3A : memref<!tpu.dma_semaphore, #tpu.memory_space<semaphore_mem>>) src(%dma_wait3A_56 : memref<49152xf32, #tpu.memory_space<hbm>>) dst(%dma_wait3A_54 : memref<49152xf32, #tpu.memory_space<vmem>>)
        tpu.yield
      }) : () -> ()
      "tpu.region"() ({
        %run_scoped3A = tpu.sem_alloc : memref<!tpu.dma_semaphore, #tpu.memory_space<semaphore_mem>>
        %dma_start3A = arith.constant 0 : i32
        %dma_start3A_43 = tpu.memref_slice %arg11[%dma_start3A] : memref<49152xf32, #tpu.memory_space<vmem>> -> memref<49152xf32, #tpu.memory_space<vmem>>
        %dma_start3A_44 = arith.constant 10848 : i32
        %dma_start3A_45 = tpu.memref_slice %arg9[%dma_start3A_44] : memref<65536xf32, #tpu.memory_space<hbm>> -> memref<49152xf32, #tpu.memory_space<hbm>>
        %dma_start3A_46 = arith.constant 10848 : i32
        %dma_start3A_47 = tpu.memref_slice %arg9[%dma_start3A_46] : memref<65536xf32, #tpu.memory_space<hbm>> -> memref<49152xf32, #tpu.memory_space<hbm>>
        %dma_start3A_48 = arith.constant 0 : i32
        %dma_start3A_49 = tpu.memref_slice %arg11[%dma_start3A_48] : memref<49152xf32, #tpu.memory_space<vmem>> -> memref<49152xf32, #tpu.memory_space<vmem>>
        tpu.enqueue_dma source(%dma_start3A_49 : memref<49152xf32, #tpu.memory_space<vmem>>) target(%dma_start3A_47 : memref<49152xf32, #tpu.memory_space<hbm>>) target_semaphore(%run_scoped3A : memref<!tpu.dma_semaphore, #tpu.memory_space<semaphore_mem>>)
        %dma_wait3A = arith.constant 0 : i32
        %dma_wait3A_50 = tpu.memref_slice %arg11[%dma_wait3A] : memref<49152xf32, #tpu.memory_space<vmem>> -> memref<49152xf32, #tpu.memory_space<vmem>>
        %dma_wait3A_51 = arith.constant 10848 : i32
        %dma_wait3A_52 = tpu.memref_slice %arg9[%dma_wait3A_51] : memref<65536xf32, #tpu.memory_space<hbm>> -> memref<49152xf32, #tpu.memory_space<hbm>>
        %dma_wait3A_53 = arith.constant 10848 : i32
        %dma_wait3A_54 = tpu.memref_slice %arg9[%dma_wait3A_53] : memref<65536xf32, #tpu.memory_space<hbm>> -> memref<49152xf32, #tpu.memory_space<hbm>>
        %dma_wait3A_55 = arith.constant 0 : i32
        %dma_wait3A_56 = tpu.memref_slice %arg11[%dma_wait3A_55] : memref<49152xf32, #tpu.memory_space<vmem>> -> memref<49152xf32, #tpu.memory_space<vmem>>
        tpu.wait_dma2 semaphore(%run_scoped3A : memref<!tpu.dma_semaphore, #tpu.memory_space<semaphore_mem>>) src(%dma_wait3A_56 : memref<49152xf32, #tpu.memory_space<vmem>>) dst(%dma_wait3A_54 : memref<49152xf32, #tpu.memory_space<hbm>>)
        tpu.yield
      }) : () -> ()
    } else {
    }
    %eq3A_28 = arith.constant 6 : i32
    %eq3A_29 = arith.cmpi eq, %add3A, %eq3A_28 : i32
    %convert_element_type3A_30 = arith.extui %eq3A_29 : i1 to i32
    %cond3A_31 = arith.constant 0 : i32
    %cond3A_32 = arith.cmpi ne, %convert_element_type3A_30, %cond3A_31 : i32
    scf.if %cond3A_32 {
      "tpu.region"() ({
        %run_scoped3A = tpu.sem_alloc : memref<!tpu.dma_semaphore, #tpu.memory_space<semaphore_mem>>
        %dma_start3A = arith.constant 0 : i32
        %dma_start3A_43 = tpu.memref_slice %arg12[%dma_start3A] : memref<49152xi32, #tpu.memory_space<vmem>> -> memref<5536xi32, #tpu.memory_space<vmem>>
        %dma_start3A_44 = arith.constant 0 : i32
        %dma_start3A_45 = tpu.memref_slice %arg4[%dma_start3A_44] : memref<16384xi32, #tpu.memory_space<hbm>> -> memref<5536xi32, #tpu.memory_space<hbm>>
        %dma_start3A_46 = arith.constant 0 : i32
        %dma_start3A_47 = tpu.memref_slice %arg12[%dma_start3A_46] : memref<49152xi32, #tpu.memory_space<vmem>> -> memref<5536xi32, #tpu.memory_space<vmem>>
        %dma_start3A_48 = arith.constant 0 : i32
        %dma_start3A_49 = tpu.memref_slice %arg4[%dma_start3A_48] : memref<16384xi32, #tpu.memory_space<hbm>> -> memref<5536xi32, #tpu.memory_space<hbm>>
        tpu.enqueue_dma source(%dma_start3A_49 : memref<5536xi32, #tpu.memory_space<hbm>>) target(%dma_start3A_47 : memref<5536xi32, #tpu.memory_space<vmem>>) target_semaphore(%run_scoped3A : memref<!tpu.dma_semaphore, #tpu.memory_space<semaphore_mem>>)
        %dma_wait3A = arith.constant 0 : i32
        %dma_wait3A_50 = tpu.memref_slice %arg12[%dma_wait3A] : memref<49152xi32, #tpu.memory_space<vmem>> -> memref<5536xi32, #tpu.memory_space<vmem>>
        %dma_wait3A_51 = arith.constant 0 : i32
        %dma_wait3A_52 = tpu.memref_slice %arg4[%dma_wait3A_51] : memref<16384xi32, #tpu.memory_space<hbm>> -> memref<5536xi32, #tpu.memory_space<hbm>>
        %dma_wait3A_53 = arith.constant 0 : i32
        %dma_wait3A_54 = tpu.memref_slice %arg12[%dma_wait3A_53] : memref<49152xi32, #tpu.memory_space<vmem>> -> memref<5536xi32, #tpu.memory_space<vmem>>
        %dma_wait3A_55 = arith.constant 0 : i32
        %dma_wait3A_56 = tpu.memref_slice %arg4[%dma_wait3A_55] : memref<16384xi32, #tpu.memory_space<hbm>> -> memref<5536xi32, #tpu.memory_space<hbm>>
        tpu.wait_dma2 semaphore(%run_scoped3A : memref<!tpu.dma_semaphore, #tpu.memory_space<semaphore_mem>>) src(%dma_wait3A_56 : memref<5536xi32, #tpu.memory_space<hbm>>) dst(%dma_wait3A_54 : memref<5536xi32, #tpu.memory_space<vmem>>)
        tpu.yield
      }) : () -> ()
      "tpu.region"() ({
        %run_scoped3A = tpu.sem_alloc : memref<!tpu.dma_semaphore, #tpu.memory_space<semaphore_mem>>
        %dma_start3A = arith.constant 0 : i32
        %dma_start3A_43 = tpu.memref_slice %arg12[%dma_start3A] : memref<49152xi32, #tpu.memory_space<vmem>> -> memref<5536xi32, #tpu.memory_space<vmem>>
        %dma_start3A_44 = arith.constant 60000 : i32
        %dma_start3A_45 = tpu.memref_slice %arg10[%dma_start3A_44] : memref<65536xi32, #tpu.memory_space<hbm>> -> memref<5536xi32, #tpu.memory_space<hbm>>
        %dma_start3A_46 = arith.constant 60000 : i32
        %dma_start3A_47 = tpu.memref_slice %arg10[%dma_start3A_46] : memref<65536xi32, #tpu.memory_space<hbm>> -> memref<5536xi32, #tpu.memory_space<hbm>>
        %dma_start3A_48 = arith.constant 0 : i32
        %dma_start3A_49 = tpu.memref_slice %arg12[%dma_start3A_48] : memref<49152xi32, #tpu.memory_space<vmem>> -> memref<5536xi32, #tpu.memory_space<vmem>>
        tpu.enqueue_dma source(%dma_start3A_49 : memref<5536xi32, #tpu.memory_space<vmem>>) target(%dma_start3A_47 : memref<5536xi32, #tpu.memory_space<hbm>>) target_semaphore(%run_scoped3A : memref<!tpu.dma_semaphore, #tpu.memory_space<semaphore_mem>>)
        %dma_wait3A = arith.constant 0 : i32
        %dma_wait3A_50 = tpu.memref_slice %arg12[%dma_wait3A] : memref<49152xi32, #tpu.memory_space<vmem>> -> memref<5536xi32, #tpu.memory_space<vmem>>
        %dma_wait3A_51 = arith.constant 60000 : i32
        %dma_wait3A_52 = tpu.memref_slice %arg10[%dma_wait3A_51] : memref<65536xi32, #tpu.memory_space<hbm>> -> memref<5536xi32, #tpu.memory_space<hbm>>
        %dma_wait3A_53 = arith.constant 60000 : i32
        %dma_wait3A_54 = tpu.memref_slice %arg10[%dma_wait3A_53] : memref<65536xi32, #tpu.memory_space<hbm>> -> memref<5536xi32, #tpu.memory_space<hbm>>
        %dma_wait3A_55 = arith.constant 0 : i32
        %dma_wait3A_56 = tpu.memref_slice %arg12[%dma_wait3A_55] : memref<49152xi32, #tpu.memory_space<vmem>> -> memref<5536xi32, #tpu.memory_space<vmem>>
        tpu.wait_dma2 semaphore(%run_scoped3A : memref<!tpu.dma_semaphore, #tpu.memory_space<semaphore_mem>>) src(%dma_wait3A_56 : memref<5536xi32, #tpu.memory_space<vmem>>) dst(%dma_wait3A_54 : memref<5536xi32, #tpu.memory_space<hbm>>)
        tpu.yield
      }) : () -> ()
    } else {
    }
    %eq3A_33 = arith.constant 7 : i32
    %eq3A_34 = arith.cmpi eq, %add3A, %eq3A_33 : i32
    %convert_element_type3A_35 = arith.extui %eq3A_34 : i1 to i32
    %cond3A_36 = arith.constant 0 : i32
    %cond3A_37 = arith.cmpi ne, %convert_element_type3A_35, %cond3A_36 : i32
    scf.if %cond3A_37 {
      "tpu.region"() ({
        %run_scoped3A = tpu.sem_alloc : memref<!tpu.dma_semaphore, #tpu.memory_space<semaphore_mem>>
        %dma_start3A = arith.constant 0 : i32
        %dma_start3A_43 = tpu.memref_slice %arg12[%dma_start3A] : memref<49152xi32, #tpu.memory_space<vmem>> -> memref<10848xi32, #tpu.memory_space<vmem>>
        %dma_start3A_44 = arith.constant 5536 : i32
        %dma_start3A_45 = tpu.memref_slice %arg4[%dma_start3A_44] : memref<16384xi32, #tpu.memory_space<hbm>> -> memref<10848xi32, #tpu.memory_space<hbm>>
        %dma_start3A_46 = arith.constant 0 : i32
        %dma_start3A_47 = tpu.memref_slice %arg12[%dma_start3A_46] : memref<49152xi32, #tpu.memory_space<vmem>> -> memref<10848xi32, #tpu.memory_space<vmem>>
        %dma_start3A_48 = arith.constant 5536 : i32
        %dma_start3A_49 = tpu.memref_slice %arg4[%dma_start3A_48] : memref<16384xi32, #tpu.memory_space<hbm>> -> memref<10848xi32, #tpu.memory_space<hbm>>
        tpu.enqueue_dma source(%dma_start3A_49 : memref<10848xi32, #tpu.memory_space<hbm>>) target(%dma_start3A_47 : memref<10848xi32, #tpu.memory_space<vmem>>) target_semaphore(%run_scoped3A : memref<!tpu.dma_semaphore, #tpu.memory_space<semaphore_mem>>)
        %dma_wait3A = arith.constant 0 : i32
        %dma_wait3A_50 = tpu.memref_slice %arg12[%dma_wait3A] : memref<49152xi32, #tpu.memory_space<vmem>> -> memref<10848xi32, #tpu.memory_space<vmem>>
        %dma_wait3A_51 = arith.constant 5536 : i32
        %dma_wait3A_52 = tpu.memref_slice %arg4[%dma_wait3A_51] : memref<16384xi32, #tpu.memory_space<hbm>> -> memref<10848xi32, #tpu.memory_space<hbm>>
        %dma_wait3A_53 = arith.constant 0 : i32
        %dma_wait3A_54 = tpu.memref_slice %arg12[%dma_wait3A_53] : memref<49152xi32, #tpu.memory_space<vmem>> -> memref<10848xi32, #tpu.memory_space<vmem>>
        %dma_wait3A_55 = arith.constant 5536 : i32
        %dma_wait3A_56 = tpu.memref_slice %arg4[%dma_wait3A_55] : memref<16384xi32, #tpu.memory_space<hbm>> -> memref<10848xi32, #tpu.memory_space<hbm>>
        tpu.wait_dma2 semaphore(%run_scoped3A : memref<!tpu.dma_semaphore, #tpu.memory_space<semaphore_mem>>) src(%dma_wait3A_56 : memref<10848xi32, #tpu.memory_space<hbm>>) dst(%dma_wait3A_54 : memref<10848xi32, #tpu.memory_space<vmem>>)
        tpu.yield
      }) : () -> ()
      "tpu.region"() ({
        %run_scoped3A = tpu.sem_alloc : memref<!tpu.dma_semaphore, #tpu.memory_space<semaphore_mem>>
        %dma_start3A = arith.constant 0 : i32
        %dma_start3A_43 = tpu.memref_slice %arg12[%dma_start3A] : memref<49152xi32, #tpu.memory_space<vmem>> -> memref<10848xi32, #tpu.memory_space<vmem>>
        %dma_start3A_44 = arith.constant 0 : i32
        %dma_start3A_45 = tpu.memref_slice %arg10[%dma_start3A_44] : memref<65536xi32, #tpu.memory_space<hbm>> -> memref<10848xi32, #tpu.memory_space<hbm>>
        %dma_start3A_46 = arith.constant 0 : i32
        %dma_start3A_47 = tpu.memref_slice %arg10[%dma_start3A_46] : memref<65536xi32, #tpu.memory_space<hbm>> -> memref<10848xi32, #tpu.memory_space<hbm>>
        %dma_start3A_48 = arith.constant 0 : i32
        %dma_start3A_49 = tpu.memref_slice %arg12[%dma_start3A_48] : memref<49152xi32, #tpu.memory_space<vmem>> -> memref<10848xi32, #tpu.memory_space<vmem>>
        tpu.enqueue_dma source(%dma_start3A_49 : memref<10848xi32, #tpu.memory_space<vmem>>) target(%dma_start3A_47 : memref<10848xi32, #tpu.memory_space<hbm>>) target_semaphore(%run_scoped3A : memref<!tpu.dma_semaphore, #tpu.memory_space<semaphore_mem>>)
        %dma_wait3A = arith.constant 0 : i32
        %dma_wait3A_50 = tpu.memref_slice %arg12[%dma_wait3A] : memref<49152xi32, #tpu.memory_space<vmem>> -> memref<10848xi32, #tpu.memory_space<vmem>>
        %dma_wait3A_51 = arith.constant 0 : i32
        %dma_wait3A_52 = tpu.memref_slice %arg10[%dma_wait3A_51] : memref<65536xi32, #tpu.memory_space<hbm>> -> memref<10848xi32, #tpu.memory_space<hbm>>
        %dma_wait3A_53 = arith.constant 0 : i32
        %dma_wait3A_54 = tpu.memref_slice %arg10[%dma_wait3A_53] : memref<65536xi32, #tpu.memory_space<hbm>> -> memref<10848xi32, #tpu.memory_space<hbm>>
        %dma_wait3A_55 = arith.constant 0 : i32
        %dma_wait3A_56 = tpu.memref_slice %arg12[%dma_wait3A_55] : memref<49152xi32, #tpu.memory_space<vmem>> -> memref<10848xi32, #tpu.memory_space<vmem>>
        tpu.wait_dma2 semaphore(%run_scoped3A : memref<!tpu.dma_semaphore, #tpu.memory_space<semaphore_mem>>) src(%dma_wait3A_56 : memref<10848xi32, #tpu.memory_space<vmem>>) dst(%dma_wait3A_54 : memref<10848xi32, #tpu.memory_space<hbm>>)
        tpu.yield
      }) : () -> ()
    } else {
    }
    %eq3A_38 = arith.constant 8 : i32
    %eq3A_39 = arith.cmpi eq, %add3A, %eq3A_38 : i32
    %convert_element_type3A_40 = arith.extui %eq3A_39 : i1 to i32
    %cond3A_41 = arith.constant 0 : i32
    %cond3A_42 = arith.cmpi ne, %convert_element_type3A_40, %cond3A_41 : i32
    scf.if %cond3A_42 {
      "tpu.region"() ({
        %run_scoped3A = tpu.sem_alloc : memref<!tpu.dma_semaphore, #tpu.memory_space<semaphore_mem>>
        %dma_start3A = arith.constant 0 : i32
        %dma_start3A_43 = tpu.memref_slice %arg12[%dma_start3A] : memref<49152xi32, #tpu.memory_space<vmem>> -> memref<49152xi32, #tpu.memory_space<vmem>>
        %dma_start3A_44 = arith.constant 10848 : i32
        %dma_start3A_45 = tpu.memref_slice %arg7[%dma_start3A_44] : memref<65536xi32, #tpu.memory_space<hbm>> -> memref<49152xi32, #tpu.memory_space<hbm>>
        %dma_start3A_46 = arith.constant 0 : i32
        %dma_start3A_47 = tpu.memref_slice %arg12[%dma_start3A_46] : memref<49152xi32, #tpu.memory_space<vmem>> -> memref<49152xi32, #tpu.memory_space<vmem>>
        %dma_start3A_48 = arith.constant 10848 : i32
        %dma_start3A_49 = tpu.memref_slice %arg7[%dma_start3A_48] : memref<65536xi32, #tpu.memory_space<hbm>> -> memref<49152xi32, #tpu.memory_space<hbm>>
        tpu.enqueue_dma source(%dma_start3A_49 : memref<49152xi32, #tpu.memory_space<hbm>>) target(%dma_start3A_47 : memref<49152xi32, #tpu.memory_space<vmem>>) target_semaphore(%run_scoped3A : memref<!tpu.dma_semaphore, #tpu.memory_space<semaphore_mem>>)
        %dma_wait3A = arith.constant 0 : i32
        %dma_wait3A_50 = tpu.memref_slice %arg12[%dma_wait3A] : memref<49152xi32, #tpu.memory_space<vmem>> -> memref<49152xi32, #tpu.memory_space<vmem>>
        %dma_wait3A_51 = arith.constant 10848 : i32
        %dma_wait3A_52 = tpu.memref_slice %arg7[%dma_wait3A_51] : memref<65536xi32, #tpu.memory_space<hbm>> -> memref<49152xi32, #tpu.memory_space<hbm>>
        %dma_wait3A_53 = arith.constant 0 : i32
        %dma_wait3A_54 = tpu.memref_slice %arg12[%dma_wait3A_53] : memref<49152xi32, #tpu.memory_space<vmem>> -> memref<49152xi32, #tpu.memory_space<vmem>>
        %dma_wait3A_55 = arith.constant 10848 : i32
        %dma_wait3A_56 = tpu.memref_slice %arg7[%dma_wait3A_55] : memref<65536xi32, #tpu.memory_space<hbm>> -> memref<49152xi32, #tpu.memory_space<hbm>>
        tpu.wait_dma2 semaphore(%run_scoped3A : memref<!tpu.dma_semaphore, #tpu.memory_space<semaphore_mem>>) src(%dma_wait3A_56 : memref<49152xi32, #tpu.memory_space<hbm>>) dst(%dma_wait3A_54 : memref<49152xi32, #tpu.memory_space<vmem>>)
        tpu.yield
      }) : () -> ()
      "tpu.region"() ({
        %run_scoped3A = tpu.sem_alloc : memref<!tpu.dma_semaphore, #tpu.memory_space<semaphore_mem>>
        %dma_start3A = arith.constant 0 : i32
        %dma_start3A_43 = tpu.memref_slice %arg12[%dma_start3A] : memref<49152xi32, #tpu.memory_space<vmem>> -> memref<49152xi32, #tpu.memory_space<vmem>>
        %dma_start3A_44 = arith.constant 10848 : i32
        %dma_start3A_45 = tpu.memref_slice %arg10[%dma_start3A_44] : memref<65536xi32, #tpu.memory_space<hbm>> -> memref<49152xi32, #tpu.memory_space<hbm>>
        %dma_start3A_46 = arith.constant 10848 : i32
        %dma_start3A_47 = tpu.memref_slice %arg10[%dma_start3A_46] : memref<65536xi32, #tpu.memory_space<hbm>> -> memref<49152xi32, #tpu.memory_space<hbm>>
        %dma_start3A_48 = arith.constant 0 : i32
        %dma_start3A_49 = tpu.memref_slice %arg12[%dma_start3A_48] : memref<49152xi32, #tpu.memory_space<vmem>> -> memref<49152xi32, #tpu.memory_space<vmem>>
        tpu.enqueue_dma source(%dma_start3A_49 : memref<49152xi32, #tpu.memory_space<vmem>>) target(%dma_start3A_47 : memref<49152xi32, #tpu.memory_space<hbm>>) target_semaphore(%run_scoped3A : memref<!tpu.dma_semaphore, #tpu.memory_space<semaphore_mem>>)
        %dma_wait3A = arith.constant 0 : i32
        %dma_wait3A_50 = tpu.memref_slice %arg12[%dma_wait3A] : memref<49152xi32, #tpu.memory_space<vmem>> -> memref<49152xi32, #tpu.memory_space<vmem>>
        %dma_wait3A_51 = arith.constant 10848 : i32
        %dma_wait3A_52 = tpu.memref_slice %arg10[%dma_wait3A_51] : memref<65536xi32, #tpu.memory_space<hbm>> -> memref<49152xi32, #tpu.memory_space<hbm>>
        %dma_wait3A_53 = arith.constant 10848 : i32
        %dma_wait3A_54 = tpu.memref_slice %arg10[%dma_wait3A_53] : memref<65536xi32, #tpu.memory_space<hbm>> -> memref<49152xi32, #tpu.memory_space<hbm>>
        %dma_wait3A_55 = arith.constant 0 : i32
        %dma_wait3A_56 = tpu.memref_slice %arg12[%dma_wait3A_55] : memref<49152xi32, #tpu.memory_space<vmem>> -> memref<49152xi32, #tpu.memory_space<vmem>>
        tpu.wait_dma2 semaphore(%run_scoped3A : memref<!tpu.dma_semaphore, #tpu.memory_space<semaphore_mem>>) src(%dma_wait3A_56 : memref<49152xi32, #tpu.memory_space<vmem>>) dst(%dma_wait3A_54 : memref<49152xi32, #tpu.memory_space<hbm>>)
        tpu.yield
      }) : () -> ()
    } else {
    }
    return
  }
}

module attributes {stable_mosaic.version = 14 : i64} {
  func.func @_z_body(%arg0: memref<16384x128xf32, #tpu.memory_space<hbm>>, %arg1: memref<65536x128xf32, #tpu.memory_space<hbm>>, %arg2: memref<65536x128xf32, #tpu.memory_space<hbm>>, %arg3: memref<6x8192x128xf32, #tpu.memory_space<vmem>>, %arg4: memref<6x!tpu.dma_semaphore, #tpu.memory_space<semaphore_mem>>, %arg5: memref<6x!tpu.dma_semaphore, #tpu.memory_space<semaphore_mem>>) attributes {dimension_semantics = [], scalar_prefetch = 0 : i64, scratch_operands = 3 : i64, tpu.core_type = #tpu.core_type<tc>} {
    %dma_start3A = arith.constant 0 : i32
    %dma_start3A_0 = arith.constant 0 : i32
    %dma_start3A_1 = tpu.memref_slice %arg4[%dma_start3A_0] : memref<6x!tpu.dma_semaphore, #tpu.memory_space<semaphore_mem>> -> memref<1x!tpu.dma_semaphore, #tpu.memory_space<semaphore_mem>>
    %dma_start3A_2 = tpu.memref_squeeze %dma_start3A_1 : memref<1x!tpu.dma_semaphore, #tpu.memory_space<semaphore_mem>> -> memref<!tpu.dma_semaphore, #tpu.memory_space<semaphore_mem>>
    %dma_start3A_3 = arith.constant 0 : i32
    %dma_start3A_4 = arith.constant 0 : i32
    %dma_start3A_5 = tpu.memref_slice %arg3[%dma_start3A, %dma_start3A_3, %dma_start3A_4] : memref<6x8192x128xf32, #tpu.memory_space<vmem>> -> memref<1x5536x128xf32, #tpu.memory_space<vmem>>
    %dma_start3A_6 = tpu.memref_squeeze %dma_start3A_5 : memref<1x5536x128xf32, #tpu.memory_space<vmem>> -> memref<5536x128xf32, #tpu.memory_space<vmem>>
    %dma_start3A_7 = arith.constant 0 : i32
    %dma_start3A_8 = arith.constant 0 : i32
    %dma_start3A_9 = tpu.memref_slice %arg0[%dma_start3A_7, %dma_start3A_8] : memref<16384x128xf32, #tpu.memory_space<hbm>> -> memref<5536x128xf32, #tpu.memory_space<hbm>>
    tpu.enqueue_dma source(%dma_start3A_9 : memref<5536x128xf32, #tpu.memory_space<hbm>>) target(%dma_start3A_6 : memref<5536x128xf32, #tpu.memory_space<vmem>>) target_semaphore(%dma_start3A_2 : memref<!tpu.dma_semaphore, #tpu.memory_space<semaphore_mem>>)
    %dma_start3A_10 = arith.constant 1 : i32
    %dma_start3A_11 = arith.constant 1 : i32
    %dma_start3A_12 = tpu.memref_slice %arg4[%dma_start3A_11] : memref<6x!tpu.dma_semaphore, #tpu.memory_space<semaphore_mem>> -> memref<1x!tpu.dma_semaphore, #tpu.memory_space<semaphore_mem>>
    %dma_start3A_13 = tpu.memref_squeeze %dma_start3A_12 : memref<1x!tpu.dma_semaphore, #tpu.memory_space<semaphore_mem>> -> memref<!tpu.dma_semaphore, #tpu.memory_space<semaphore_mem>>
    %dma_start3A_14 = arith.constant 0 : i32
    %dma_start3A_15 = arith.constant 0 : i32
    %dma_start3A_16 = tpu.memref_slice %arg3[%dma_start3A_10, %dma_start3A_14, %dma_start3A_15] : memref<6x8192x128xf32, #tpu.memory_space<vmem>> -> memref<1x8192x128xf32, #tpu.memory_space<vmem>>
    %dma_start3A_17 = tpu.memref_squeeze %dma_start3A_16 : memref<1x8192x128xf32, #tpu.memory_space<vmem>> -> memref<8192x128xf32, #tpu.memory_space<vmem>>
    %dma_start3A_18 = arith.constant 5536 : i32
    %dma_start3A_19 = arith.constant 0 : i32
    %dma_start3A_20 = tpu.memref_slice %arg0[%dma_start3A_18, %dma_start3A_19] : memref<16384x128xf32, #tpu.memory_space<hbm>> -> memref<8192x128xf32, #tpu.memory_space<hbm>>
    tpu.enqueue_dma source(%dma_start3A_20 : memref<8192x128xf32, #tpu.memory_space<hbm>>) target(%dma_start3A_17 : memref<8192x128xf32, #tpu.memory_space<vmem>>) target_semaphore(%dma_start3A_13 : memref<!tpu.dma_semaphore, #tpu.memory_space<semaphore_mem>>)
    %dma_start3A_21 = arith.constant 2 : i32
    %dma_start3A_22 = arith.constant 2 : i32
    %dma_start3A_23 = tpu.memref_slice %arg4[%dma_start3A_22] : memref<6x!tpu.dma_semaphore, #tpu.memory_space<semaphore_mem>> -> memref<1x!tpu.dma_semaphore, #tpu.memory_space<semaphore_mem>>
    %dma_start3A_24 = tpu.memref_squeeze %dma_start3A_23 : memref<1x!tpu.dma_semaphore, #tpu.memory_space<semaphore_mem>> -> memref<!tpu.dma_semaphore, #tpu.memory_space<semaphore_mem>>
    %dma_start3A_25 = arith.constant 0 : i32
    %dma_start3A_26 = arith.constant 0 : i32
    %dma_start3A_27 = tpu.memref_slice %arg3[%dma_start3A_21, %dma_start3A_25, %dma_start3A_26] : memref<6x8192x128xf32, #tpu.memory_space<vmem>> -> memref<1x2656x128xf32, #tpu.memory_space<vmem>>
    %dma_start3A_28 = tpu.memref_squeeze %dma_start3A_27 : memref<1x2656x128xf32, #tpu.memory_space<vmem>> -> memref<2656x128xf32, #tpu.memory_space<vmem>>
    %dma_start3A_29 = arith.constant 13728 : i32
    %dma_start3A_30 = arith.constant 0 : i32
    %dma_start3A_31 = tpu.memref_slice %arg0[%dma_start3A_29, %dma_start3A_30] : memref<16384x128xf32, #tpu.memory_space<hbm>> -> memref<2656x128xf32, #tpu.memory_space<hbm>>
    tpu.enqueue_dma source(%dma_start3A_31 : memref<2656x128xf32, #tpu.memory_space<hbm>>) target(%dma_start3A_28 : memref<2656x128xf32, #tpu.memory_space<vmem>>) target_semaphore(%dma_start3A_24 : memref<!tpu.dma_semaphore, #tpu.memory_space<semaphore_mem>>)
    %dma_start3A_32 = arith.constant 3 : i32
    %dma_start3A_33 = arith.constant 3 : i32
    %dma_start3A_34 = tpu.memref_slice %arg4[%dma_start3A_33] : memref<6x!tpu.dma_semaphore, #tpu.memory_space<semaphore_mem>> -> memref<1x!tpu.dma_semaphore, #tpu.memory_space<semaphore_mem>>
    %dma_start3A_35 = tpu.memref_squeeze %dma_start3A_34 : memref<1x!tpu.dma_semaphore, #tpu.memory_space<semaphore_mem>> -> memref<!tpu.dma_semaphore, #tpu.memory_space<semaphore_mem>>
    %dma_start3A_36 = arith.constant 0 : i32
    %dma_start3A_37 = arith.constant 0 : i32
    %dma_start3A_38 = tpu.memref_slice %arg3[%dma_start3A_32, %dma_start3A_36, %dma_start3A_37] : memref<6x8192x128xf32, #tpu.memory_space<vmem>> -> memref<1x8192x128xf32, #tpu.memory_space<vmem>>
    %dma_start3A_39 = tpu.memref_squeeze %dma_start3A_38 : memref<1x8192x128xf32, #tpu.memory_space<vmem>> -> memref<8192x128xf32, #tpu.memory_space<vmem>>
    %dma_start3A_40 = arith.constant 10848 : i32
    %dma_start3A_41 = arith.constant 0 : i32
    %dma_start3A_42 = tpu.memref_slice %arg1[%dma_start3A_40, %dma_start3A_41] : memref<65536x128xf32, #tpu.memory_space<hbm>> -> memref<8192x128xf32, #tpu.memory_space<hbm>>
    tpu.enqueue_dma source(%dma_start3A_42 : memref<8192x128xf32, #tpu.memory_space<hbm>>) target(%dma_start3A_39 : memref<8192x128xf32, #tpu.memory_space<vmem>>) target_semaphore(%dma_start3A_35 : memref<!tpu.dma_semaphore, #tpu.memory_space<semaphore_mem>>)
    %dma_start3A_43 = arith.constant 4 : i32
    %dma_start3A_44 = arith.constant 4 : i32
    %dma_start3A_45 = tpu.memref_slice %arg4[%dma_start3A_44] : memref<6x!tpu.dma_semaphore, #tpu.memory_space<semaphore_mem>> -> memref<1x!tpu.dma_semaphore, #tpu.memory_space<semaphore_mem>>
    %dma_start3A_46 = tpu.memref_squeeze %dma_start3A_45 : memref<1x!tpu.dma_semaphore, #tpu.memory_space<semaphore_mem>> -> memref<!tpu.dma_semaphore, #tpu.memory_space<semaphore_mem>>
    %dma_start3A_47 = arith.constant 0 : i32
    %dma_start3A_48 = arith.constant 0 : i32
    %dma_start3A_49 = tpu.memref_slice %arg3[%dma_start3A_43, %dma_start3A_47, %dma_start3A_48] : memref<6x8192x128xf32, #tpu.memory_space<vmem>> -> memref<1x8192x128xf32, #tpu.memory_space<vmem>>
    %dma_start3A_50 = tpu.memref_squeeze %dma_start3A_49 : memref<1x8192x128xf32, #tpu.memory_space<vmem>> -> memref<8192x128xf32, #tpu.memory_space<vmem>>
    %dma_start3A_51 = arith.constant 19040 : i32
    %dma_start3A_52 = arith.constant 0 : i32
    %dma_start3A_53 = tpu.memref_slice %arg1[%dma_start3A_51, %dma_start3A_52] : memref<65536x128xf32, #tpu.memory_space<hbm>> -> memref<8192x128xf32, #tpu.memory_space<hbm>>
    tpu.enqueue_dma source(%dma_start3A_53 : memref<8192x128xf32, #tpu.memory_space<hbm>>) target(%dma_start3A_50 : memref<8192x128xf32, #tpu.memory_space<vmem>>) target_semaphore(%dma_start3A_46 : memref<!tpu.dma_semaphore, #tpu.memory_space<semaphore_mem>>)
    %dma_start3A_54 = arith.constant 5 : i32
    %dma_start3A_55 = arith.constant 5 : i32
    %dma_start3A_56 = tpu.memref_slice %arg4[%dma_start3A_55] : memref<6x!tpu.dma_semaphore, #tpu.memory_space<semaphore_mem>> -> memref<1x!tpu.dma_semaphore, #tpu.memory_space<semaphore_mem>>
    %dma_start3A_57 = tpu.memref_squeeze %dma_start3A_56 : memref<1x!tpu.dma_semaphore, #tpu.memory_space<semaphore_mem>> -> memref<!tpu.dma_semaphore, #tpu.memory_space<semaphore_mem>>
    %dma_start3A_58 = arith.constant 0 : i32
    %dma_start3A_59 = arith.constant 0 : i32
    %dma_start3A_60 = tpu.memref_slice %arg3[%dma_start3A_54, %dma_start3A_58, %dma_start3A_59] : memref<6x8192x128xf32, #tpu.memory_space<vmem>> -> memref<1x8192x128xf32, #tpu.memory_space<vmem>>
    %dma_start3A_61 = tpu.memref_squeeze %dma_start3A_60 : memref<1x8192x128xf32, #tpu.memory_space<vmem>> -> memref<8192x128xf32, #tpu.memory_space<vmem>>
    %dma_start3A_62 = arith.constant 27232 : i32
    %dma_start3A_63 = arith.constant 0 : i32
    %dma_start3A_64 = tpu.memref_slice %arg1[%dma_start3A_62, %dma_start3A_63] : memref<65536x128xf32, #tpu.memory_space<hbm>> -> memref<8192x128xf32, #tpu.memory_space<hbm>>
    tpu.enqueue_dma source(%dma_start3A_64 : memref<8192x128xf32, #tpu.memory_space<hbm>>) target(%dma_start3A_61 : memref<8192x128xf32, #tpu.memory_space<vmem>>) target_semaphore(%dma_start3A_57 : memref<!tpu.dma_semaphore, #tpu.memory_space<semaphore_mem>>)
    %dma_wait3A = arith.constant 0 : i32
    %dma_wait3A_65 = arith.constant 0 : i32
    %dma_wait3A_66 = tpu.memref_slice %arg4[%dma_wait3A_65] : memref<6x!tpu.dma_semaphore, #tpu.memory_space<semaphore_mem>> -> memref<1x!tpu.dma_semaphore, #tpu.memory_space<semaphore_mem>>
    %dma_wait3A_67 = tpu.memref_squeeze %dma_wait3A_66 : memref<1x!tpu.dma_semaphore, #tpu.memory_space<semaphore_mem>> -> memref<!tpu.dma_semaphore, #tpu.memory_space<semaphore_mem>>
    %dma_wait3A_68 = arith.constant 0 : i32
    %dma_wait3A_69 = arith.constant 0 : i32
    %dma_wait3A_70 = tpu.memref_slice %arg3[%dma_wait3A, %dma_wait3A_68, %dma_wait3A_69] : memref<6x8192x128xf32, #tpu.memory_space<vmem>> -> memref<1x5536x128xf32, #tpu.memory_space<vmem>>
    %dma_wait3A_71 = tpu.memref_squeeze %dma_wait3A_70 : memref<1x5536x128xf32, #tpu.memory_space<vmem>> -> memref<5536x128xf32, #tpu.memory_space<vmem>>
    %dma_wait3A_72 = arith.constant 0 : i32
    %dma_wait3A_73 = arith.constant 0 : i32
    %dma_wait3A_74 = tpu.memref_slice %arg0[%dma_wait3A_72, %dma_wait3A_73] : memref<16384x128xf32, #tpu.memory_space<hbm>> -> memref<5536x128xf32, #tpu.memory_space<hbm>>
    tpu.wait_dma2 semaphore(%dma_wait3A_67 : memref<!tpu.dma_semaphore, #tpu.memory_space<semaphore_mem>>) src(%dma_wait3A_74 : memref<5536x128xf32, #tpu.memory_space<hbm>>) dst(%dma_wait3A_71 : memref<5536x128xf32, #tpu.memory_space<vmem>>)
    %dma_start3A_75 = arith.constant 0 : i32
    %dma_start3A_76 = arith.constant 0 : i32
    %dma_start3A_77 = tpu.memref_slice %arg5[%dma_start3A_76] : memref<6x!tpu.dma_semaphore, #tpu.memory_space<semaphore_mem>> -> memref<1x!tpu.dma_semaphore, #tpu.memory_space<semaphore_mem>>
    %dma_start3A_78 = tpu.memref_squeeze %dma_start3A_77 : memref<1x!tpu.dma_semaphore, #tpu.memory_space<semaphore_mem>> -> memref<!tpu.dma_semaphore, #tpu.memory_space<semaphore_mem>>
    %dma_start3A_79 = arith.constant 60000 : i32
    %dma_start3A_80 = arith.constant 0 : i32
    %dma_start3A_81 = tpu.memref_slice %arg2[%dma_start3A_79, %dma_start3A_80] : memref<65536x128xf32, #tpu.memory_space<hbm>> -> memref<5536x128xf32, #tpu.memory_space<hbm>>
    %dma_start3A_82 = arith.constant 0 : i32
    %dma_start3A_83 = arith.constant 0 : i32
    %dma_start3A_84 = tpu.memref_slice %arg3[%dma_start3A_75, %dma_start3A_82, %dma_start3A_83] : memref<6x8192x128xf32, #tpu.memory_space<vmem>> -> memref<1x5536x128xf32, #tpu.memory_space<vmem>>
    %dma_start3A_85 = tpu.memref_squeeze %dma_start3A_84 : memref<1x5536x128xf32, #tpu.memory_space<vmem>> -> memref<5536x128xf32, #tpu.memory_space<vmem>>
    tpu.enqueue_dma source(%dma_start3A_85 : memref<5536x128xf32, #tpu.memory_space<vmem>>) target(%dma_start3A_81 : memref<5536x128xf32, #tpu.memory_space<hbm>>) target_semaphore(%dma_start3A_78 : memref<!tpu.dma_semaphore, #tpu.memory_space<semaphore_mem>>)
    %dma_wait3A_86 = arith.constant 0 : i32
    %dma_wait3A_87 = arith.constant 0 : i32
    %dma_wait3A_88 = tpu.memref_slice %arg5[%dma_wait3A_87] : memref<6x!tpu.dma_semaphore, #tpu.memory_space<semaphore_mem>> -> memref<1x!tpu.dma_semaphore, #tpu.memory_space<semaphore_mem>>
    %dma_wait3A_89 = tpu.memref_squeeze %dma_wait3A_88 : memref<1x!tpu.dma_semaphore, #tpu.memory_space<semaphore_mem>> -> memref<!tpu.dma_semaphore, #tpu.memory_space<semaphore_mem>>
    %dma_wait3A_90 = arith.constant 60000 : i32
    %dma_wait3A_91 = arith.constant 0 : i32
    %dma_wait3A_92 = tpu.memref_slice %arg2[%dma_wait3A_90, %dma_wait3A_91] : memref<65536x128xf32, #tpu.memory_space<hbm>> -> memref<5536x128xf32, #tpu.memory_space<hbm>>
    %dma_wait3A_93 = arith.constant 0 : i32
    %dma_wait3A_94 = arith.constant 0 : i32
    %dma_wait3A_95 = tpu.memref_slice %arg3[%dma_wait3A_86, %dma_wait3A_93, %dma_wait3A_94] : memref<6x8192x128xf32, #tpu.memory_space<vmem>> -> memref<1x5536x128xf32, #tpu.memory_space<vmem>>
    %dma_wait3A_96 = tpu.memref_squeeze %dma_wait3A_95 : memref<1x5536x128xf32, #tpu.memory_space<vmem>> -> memref<5536x128xf32, #tpu.memory_space<vmem>>
    tpu.wait_dma2 semaphore(%dma_wait3A_89 : memref<!tpu.dma_semaphore, #tpu.memory_space<semaphore_mem>>) src(%dma_wait3A_96 : memref<5536x128xf32, #tpu.memory_space<vmem>>) dst(%dma_wait3A_92 : memref<5536x128xf32, #tpu.memory_space<hbm>>)
    %dma_start3A_97 = arith.constant 0 : i32
    %dma_start3A_98 = arith.constant 0 : i32
    %dma_start3A_99 = tpu.memref_slice %arg4[%dma_start3A_98] : memref<6x!tpu.dma_semaphore, #tpu.memory_space<semaphore_mem>> -> memref<1x!tpu.dma_semaphore, #tpu.memory_space<semaphore_mem>>
    %dma_start3A_100 = tpu.memref_squeeze %dma_start3A_99 : memref<1x!tpu.dma_semaphore, #tpu.memory_space<semaphore_mem>> -> memref<!tpu.dma_semaphore, #tpu.memory_space<semaphore_mem>>
    %dma_start3A_101 = arith.constant 0 : i32
    %dma_start3A_102 = arith.constant 0 : i32
    %dma_start3A_103 = tpu.memref_slice %arg3[%dma_start3A_97, %dma_start3A_101, %dma_start3A_102] : memref<6x8192x128xf32, #tpu.memory_space<vmem>> -> memref<1x8192x128xf32, #tpu.memory_space<vmem>>
    %dma_start3A_104 = tpu.memref_squeeze %dma_start3A_103 : memref<1x8192x128xf32, #tpu.memory_space<vmem>> -> memref<8192x128xf32, #tpu.memory_space<vmem>>
    %dma_start3A_105 = arith.constant 35424 : i32
    %dma_start3A_106 = arith.constant 0 : i32
    %dma_start3A_107 = tpu.memref_slice %arg1[%dma_start3A_105, %dma_start3A_106] : memref<65536x128xf32, #tpu.memory_space<hbm>> -> memref<8192x128xf32, #tpu.memory_space<hbm>>
    tpu.enqueue_dma source(%dma_start3A_107 : memref<8192x128xf32, #tpu.memory_space<hbm>>) target(%dma_start3A_104 : memref<8192x128xf32, #tpu.memory_space<vmem>>) target_semaphore(%dma_start3A_100 : memref<!tpu.dma_semaphore, #tpu.memory_space<semaphore_mem>>)
    %dma_wait3A_108 = arith.constant 1 : i32
    %dma_wait3A_109 = arith.constant 1 : i32
    %dma_wait3A_110 = tpu.memref_slice %arg4[%dma_wait3A_109] : memref<6x!tpu.dma_semaphore, #tpu.memory_space<semaphore_mem>> -> memref<1x!tpu.dma_semaphore, #tpu.memory_space<semaphore_mem>>
    %dma_wait3A_111 = tpu.memref_squeeze %dma_wait3A_110 : memref<1x!tpu.dma_semaphore, #tpu.memory_space<semaphore_mem>> -> memref<!tpu.dma_semaphore, #tpu.memory_space<semaphore_mem>>
    %dma_wait3A_112 = arith.constant 0 : i32
    %dma_wait3A_113 = arith.constant 0 : i32
    %dma_wait3A_114 = tpu.memref_slice %arg3[%dma_wait3A_108, %dma_wait3A_112, %dma_wait3A_113] : memref<6x8192x128xf32, #tpu.memory_space<vmem>> -> memref<1x8192x128xf32, #tpu.memory_space<vmem>>
    %dma_wait3A_115 = tpu.memref_squeeze %dma_wait3A_114 : memref<1x8192x128xf32, #tpu.memory_space<vmem>> -> memref<8192x128xf32, #tpu.memory_space<vmem>>
    %dma_wait3A_116 = arith.constant 5536 : i32
    %dma_wait3A_117 = arith.constant 0 : i32
    %dma_wait3A_118 = tpu.memref_slice %arg0[%dma_wait3A_116, %dma_wait3A_117] : memref<16384x128xf32, #tpu.memory_space<hbm>> -> memref<8192x128xf32, #tpu.memory_space<hbm>>
    tpu.wait_dma2 semaphore(%dma_wait3A_111 : memref<!tpu.dma_semaphore, #tpu.memory_space<semaphore_mem>>) src(%dma_wait3A_118 : memref<8192x128xf32, #tpu.memory_space<hbm>>) dst(%dma_wait3A_115 : memref<8192x128xf32, #tpu.memory_space<vmem>>)
    %dma_start3A_119 = arith.constant 1 : i32
    %dma_start3A_120 = arith.constant 1 : i32
    %dma_start3A_121 = tpu.memref_slice %arg5[%dma_start3A_120] : memref<6x!tpu.dma_semaphore, #tpu.memory_space<semaphore_mem>> -> memref<1x!tpu.dma_semaphore, #tpu.memory_space<semaphore_mem>>
    %dma_start3A_122 = tpu.memref_squeeze %dma_start3A_121 : memref<1x!tpu.dma_semaphore, #tpu.memory_space<semaphore_mem>> -> memref<!tpu.dma_semaphore, #tpu.memory_space<semaphore_mem>>
    %dma_start3A_123 = arith.constant 0 : i32
    %dma_start3A_124 = arith.constant 0 : i32
    %dma_start3A_125 = tpu.memref_slice %arg2[%dma_start3A_123, %dma_start3A_124] : memref<65536x128xf32, #tpu.memory_space<hbm>> -> memref<8192x128xf32, #tpu.memory_space<hbm>>
    %dma_start3A_126 = arith.constant 0 : i32
    %dma_start3A_127 = arith.constant 0 : i32
    %dma_start3A_128 = tpu.memref_slice %arg3[%dma_start3A_119, %dma_start3A_126, %dma_start3A_127] : memref<6x8192x128xf32, #tpu.memory_space<vmem>> -> memref<1x8192x128xf32, #tpu.memory_space<vmem>>
    %dma_start3A_129 = tpu.memref_squeeze %dma_start3A_128 : memref<1x8192x128xf32, #tpu.memory_space<vmem>> -> memref<8192x128xf32, #tpu.memory_space<vmem>>
    tpu.enqueue_dma source(%dma_start3A_129 : memref<8192x128xf32, #tpu.memory_space<vmem>>) target(%dma_start3A_125 : memref<8192x128xf32, #tpu.memory_space<hbm>>) target_semaphore(%dma_start3A_122 : memref<!tpu.dma_semaphore, #tpu.memory_space<semaphore_mem>>)
    %dma_wait3A_130 = arith.constant 1 : i32
    %dma_wait3A_131 = arith.constant 1 : i32
    %dma_wait3A_132 = tpu.memref_slice %arg5[%dma_wait3A_131] : memref<6x!tpu.dma_semaphore, #tpu.memory_space<semaphore_mem>> -> memref<1x!tpu.dma_semaphore, #tpu.memory_space<semaphore_mem>>
    %dma_wait3A_133 = tpu.memref_squeeze %dma_wait3A_132 : memref<1x!tpu.dma_semaphore, #tpu.memory_space<semaphore_mem>> -> memref<!tpu.dma_semaphore, #tpu.memory_space<semaphore_mem>>
    %dma_wait3A_134 = arith.constant 0 : i32
    %dma_wait3A_135 = arith.constant 0 : i32
    %dma_wait3A_136 = tpu.memref_slice %arg2[%dma_wait3A_134, %dma_wait3A_135] : memref<65536x128xf32, #tpu.memory_space<hbm>> -> memref<8192x128xf32, #tpu.memory_space<hbm>>
    %dma_wait3A_137 = arith.constant 0 : i32
    %dma_wait3A_138 = arith.constant 0 : i32
    %dma_wait3A_139 = tpu.memref_slice %arg3[%dma_wait3A_130, %dma_wait3A_137, %dma_wait3A_138] : memref<6x8192x128xf32, #tpu.memory_space<vmem>> -> memref<1x8192x128xf32, #tpu.memory_space<vmem>>
    %dma_wait3A_140 = tpu.memref_squeeze %dma_wait3A_139 : memref<1x8192x128xf32, #tpu.memory_space<vmem>> -> memref<8192x128xf32, #tpu.memory_space<vmem>>
    tpu.wait_dma2 semaphore(%dma_wait3A_133 : memref<!tpu.dma_semaphore, #tpu.memory_space<semaphore_mem>>) src(%dma_wait3A_140 : memref<8192x128xf32, #tpu.memory_space<vmem>>) dst(%dma_wait3A_136 : memref<8192x128xf32, #tpu.memory_space<hbm>>)
    %dma_start3A_141 = arith.constant 1 : i32
    %dma_start3A_142 = arith.constant 1 : i32
    %dma_start3A_143 = tpu.memref_slice %arg4[%dma_start3A_142] : memref<6x!tpu.dma_semaphore, #tpu.memory_space<semaphore_mem>> -> memref<1x!tpu.dma_semaphore, #tpu.memory_space<semaphore_mem>>
    %dma_start3A_144 = tpu.memref_squeeze %dma_start3A_143 : memref<1x!tpu.dma_semaphore, #tpu.memory_space<semaphore_mem>> -> memref<!tpu.dma_semaphore, #tpu.memory_space<semaphore_mem>>
    %dma_start3A_145 = arith.constant 0 : i32
    %dma_start3A_146 = arith.constant 0 : i32
    %dma_start3A_147 = tpu.memref_slice %arg3[%dma_start3A_141, %dma_start3A_145, %dma_start3A_146] : memref<6x8192x128xf32, #tpu.memory_space<vmem>> -> memref<1x8192x128xf32, #tpu.memory_space<vmem>>
    %dma_start3A_148 = tpu.memref_squeeze %dma_start3A_147 : memref<1x8192x128xf32, #tpu.memory_space<vmem>> -> memref<8192x128xf32, #tpu.memory_space<vmem>>
    %dma_start3A_149 = arith.constant 43616 : i32
    %dma_start3A_150 = arith.constant 0 : i32
    %dma_start3A_151 = tpu.memref_slice %arg1[%dma_start3A_149, %dma_start3A_150] : memref<65536x128xf32, #tpu.memory_space<hbm>> -> memref<8192x128xf32, #tpu.memory_space<hbm>>
    tpu.enqueue_dma source(%dma_start3A_151 : memref<8192x128xf32, #tpu.memory_space<hbm>>) target(%dma_start3A_148 : memref<8192x128xf32, #tpu.memory_space<vmem>>) target_semaphore(%dma_start3A_144 : memref<!tpu.dma_semaphore, #tpu.memory_space<semaphore_mem>>)
    %dma_wait3A_152 = arith.constant 2 : i32
    %dma_wait3A_153 = arith.constant 2 : i32
    %dma_wait3A_154 = tpu.memref_slice %arg4[%dma_wait3A_153] : memref<6x!tpu.dma_semaphore, #tpu.memory_space<semaphore_mem>> -> memref<1x!tpu.dma_semaphore, #tpu.memory_space<semaphore_mem>>
    %dma_wait3A_155 = tpu.memref_squeeze %dma_wait3A_154 : memref<1x!tpu.dma_semaphore, #tpu.memory_space<semaphore_mem>> -> memref<!tpu.dma_semaphore, #tpu.memory_space<semaphore_mem>>
    %dma_wait3A_156 = arith.constant 0 : i32
    %dma_wait3A_157 = arith.constant 0 : i32
    %dma_wait3A_158 = tpu.memref_slice %arg3[%dma_wait3A_152, %dma_wait3A_156, %dma_wait3A_157] : memref<6x8192x128xf32, #tpu.memory_space<vmem>> -> memref<1x2656x128xf32, #tpu.memory_space<vmem>>
    %dma_wait3A_159 = tpu.memref_squeeze %dma_wait3A_158 : memref<1x2656x128xf32, #tpu.memory_space<vmem>> -> memref<2656x128xf32, #tpu.memory_space<vmem>>
    %dma_wait3A_160 = arith.constant 13728 : i32
    %dma_wait3A_161 = arith.constant 0 : i32
    %dma_wait3A_162 = tpu.memref_slice %arg0[%dma_wait3A_160, %dma_wait3A_161] : memref<16384x128xf32, #tpu.memory_space<hbm>> -> memref<2656x128xf32, #tpu.memory_space<hbm>>
    tpu.wait_dma2 semaphore(%dma_wait3A_155 : memref<!tpu.dma_semaphore, #tpu.memory_space<semaphore_mem>>) src(%dma_wait3A_162 : memref<2656x128xf32, #tpu.memory_space<hbm>>) dst(%dma_wait3A_159 : memref<2656x128xf32, #tpu.memory_space<vmem>>)
    %dma_start3A_163 = arith.constant 2 : i32
    %dma_start3A_164 = arith.constant 2 : i32
    %dma_start3A_165 = tpu.memref_slice %arg5[%dma_start3A_164] : memref<6x!tpu.dma_semaphore, #tpu.memory_space<semaphore_mem>> -> memref<1x!tpu.dma_semaphore, #tpu.memory_space<semaphore_mem>>
    %dma_start3A_166 = tpu.memref_squeeze %dma_start3A_165 : memref<1x!tpu.dma_semaphore, #tpu.memory_space<semaphore_mem>> -> memref<!tpu.dma_semaphore, #tpu.memory_space<semaphore_mem>>
    %dma_start3A_167 = arith.constant 8192 : i32
    %dma_start3A_168 = arith.constant 0 : i32
    %dma_start3A_169 = tpu.memref_slice %arg2[%dma_start3A_167, %dma_start3A_168] : memref<65536x128xf32, #tpu.memory_space<hbm>> -> memref<2656x128xf32, #tpu.memory_space<hbm>>
    %dma_start3A_170 = arith.constant 0 : i32
    %dma_start3A_171 = arith.constant 0 : i32
    %dma_start3A_172 = tpu.memref_slice %arg3[%dma_start3A_163, %dma_start3A_170, %dma_start3A_171] : memref<6x8192x128xf32, #tpu.memory_space<vmem>> -> memref<1x2656x128xf32, #tpu.memory_space<vmem>>
    %dma_start3A_173 = tpu.memref_squeeze %dma_start3A_172 : memref<1x2656x128xf32, #tpu.memory_space<vmem>> -> memref<2656x128xf32, #tpu.memory_space<vmem>>
    tpu.enqueue_dma source(%dma_start3A_173 : memref<2656x128xf32, #tpu.memory_space<vmem>>) target(%dma_start3A_169 : memref<2656x128xf32, #tpu.memory_space<hbm>>) target_semaphore(%dma_start3A_166 : memref<!tpu.dma_semaphore, #tpu.memory_space<semaphore_mem>>)
    %dma_wait3A_174 = arith.constant 2 : i32
    %dma_wait3A_175 = arith.constant 2 : i32
    %dma_wait3A_176 = tpu.memref_slice %arg5[%dma_wait3A_175] : memref<6x!tpu.dma_semaphore, #tpu.memory_space<semaphore_mem>> -> memref<1x!tpu.dma_semaphore, #tpu.memory_space<semaphore_mem>>
    %dma_wait3A_177 = tpu.memref_squeeze %dma_wait3A_176 : memref<1x!tpu.dma_semaphore, #tpu.memory_space<semaphore_mem>> -> memref<!tpu.dma_semaphore, #tpu.memory_space<semaphore_mem>>
    %dma_wait3A_178 = arith.constant 8192 : i32
    %dma_wait3A_179 = arith.constant 0 : i32
    %dma_wait3A_180 = tpu.memref_slice %arg2[%dma_wait3A_178, %dma_wait3A_179] : memref<65536x128xf32, #tpu.memory_space<hbm>> -> memref<2656x128xf32, #tpu.memory_space<hbm>>
    %dma_wait3A_181 = arith.constant 0 : i32
    %dma_wait3A_182 = arith.constant 0 : i32
    %dma_wait3A_183 = tpu.memref_slice %arg3[%dma_wait3A_174, %dma_wait3A_181, %dma_wait3A_182] : memref<6x8192x128xf32, #tpu.memory_space<vmem>> -> memref<1x2656x128xf32, #tpu.memory_space<vmem>>
    %dma_wait3A_184 = tpu.memref_squeeze %dma_wait3A_183 : memref<1x2656x128xf32, #tpu.memory_space<vmem>> -> memref<2656x128xf32, #tpu.memory_space<vmem>>
    tpu.wait_dma2 semaphore(%dma_wait3A_177 : memref<!tpu.dma_semaphore, #tpu.memory_space<semaphore_mem>>) src(%dma_wait3A_184 : memref<2656x128xf32, #tpu.memory_space<vmem>>) dst(%dma_wait3A_180 : memref<2656x128xf32, #tpu.memory_space<hbm>>)
    %dma_start3A_185 = arith.constant 2 : i32
    %dma_start3A_186 = arith.constant 2 : i32
    %dma_start3A_187 = tpu.memref_slice %arg4[%dma_start3A_186] : memref<6x!tpu.dma_semaphore, #tpu.memory_space<semaphore_mem>> -> memref<1x!tpu.dma_semaphore, #tpu.memory_space<semaphore_mem>>
    %dma_start3A_188 = tpu.memref_squeeze %dma_start3A_187 : memref<1x!tpu.dma_semaphore, #tpu.memory_space<semaphore_mem>> -> memref<!tpu.dma_semaphore, #tpu.memory_space<semaphore_mem>>
    %dma_start3A_189 = arith.constant 0 : i32
    %dma_start3A_190 = arith.constant 0 : i32
    %dma_start3A_191 = tpu.memref_slice %arg3[%dma_start3A_185, %dma_start3A_189, %dma_start3A_190] : memref<6x8192x128xf32, #tpu.memory_space<vmem>> -> memref<1x8192x128xf32, #tpu.memory_space<vmem>>
    %dma_start3A_192 = tpu.memref_squeeze %dma_start3A_191 : memref<1x8192x128xf32, #tpu.memory_space<vmem>> -> memref<8192x128xf32, #tpu.memory_space<vmem>>
    %dma_start3A_193 = arith.constant 51808 : i32
    %dma_start3A_194 = arith.constant 0 : i32
    %dma_start3A_195 = tpu.memref_slice %arg1[%dma_start3A_193, %dma_start3A_194] : memref<65536x128xf32, #tpu.memory_space<hbm>> -> memref<8192x128xf32, #tpu.memory_space<hbm>>
    tpu.enqueue_dma source(%dma_start3A_195 : memref<8192x128xf32, #tpu.memory_space<hbm>>) target(%dma_start3A_192 : memref<8192x128xf32, #tpu.memory_space<vmem>>) target_semaphore(%dma_start3A_188 : memref<!tpu.dma_semaphore, #tpu.memory_space<semaphore_mem>>)
    %dma_wait3A_196 = arith.constant 3 : i32
    %dma_wait3A_197 = arith.constant 3 : i32
    %dma_wait3A_198 = tpu.memref_slice %arg4[%dma_wait3A_197] : memref<6x!tpu.dma_semaphore, #tpu.memory_space<semaphore_mem>> -> memref<1x!tpu.dma_semaphore, #tpu.memory_space<semaphore_mem>>
    %dma_wait3A_199 = tpu.memref_squeeze %dma_wait3A_198 : memref<1x!tpu.dma_semaphore, #tpu.memory_space<semaphore_mem>> -> memref<!tpu.dma_semaphore, #tpu.memory_space<semaphore_mem>>
    %dma_wait3A_200 = arith.constant 0 : i32
    %dma_wait3A_201 = arith.constant 0 : i32
    %dma_wait3A_202 = tpu.memref_slice %arg3[%dma_wait3A_196, %dma_wait3A_200, %dma_wait3A_201] : memref<6x8192x128xf32, #tpu.memory_space<vmem>> -> memref<1x8192x128xf32, #tpu.memory_space<vmem>>
    %dma_wait3A_203 = tpu.memref_squeeze %dma_wait3A_202 : memref<1x8192x128xf32, #tpu.memory_space<vmem>> -> memref<8192x128xf32, #tpu.memory_space<vmem>>
    %dma_wait3A_204 = arith.constant 10848 : i32
    %dma_wait3A_205 = arith.constant 0 : i32
    %dma_wait3A_206 = tpu.memref_slice %arg1[%dma_wait3A_204, %dma_wait3A_205] : memref<65536x128xf32, #tpu.memory_space<hbm>> -> memref<8192x128xf32, #tpu.memory_space<hbm>>
    tpu.wait_dma2 semaphore(%dma_wait3A_199 : memref<!tpu.dma_semaphore, #tpu.memory_space<semaphore_mem>>) src(%dma_wait3A_206 : memref<8192x128xf32, #tpu.memory_space<hbm>>) dst(%dma_wait3A_203 : memref<8192x128xf32, #tpu.memory_space<vmem>>)
    %dma_start3A_207 = arith.constant 3 : i32
    %dma_start3A_208 = arith.constant 3 : i32
    %dma_start3A_209 = tpu.memref_slice %arg5[%dma_start3A_208] : memref<6x!tpu.dma_semaphore, #tpu.memory_space<semaphore_mem>> -> memref<1x!tpu.dma_semaphore, #tpu.memory_space<semaphore_mem>>
    %dma_start3A_210 = tpu.memref_squeeze %dma_start3A_209 : memref<1x!tpu.dma_semaphore, #tpu.memory_space<semaphore_mem>> -> memref<!tpu.dma_semaphore, #tpu.memory_space<semaphore_mem>>
    %dma_start3A_211 = arith.constant 10848 : i32
    %dma_start3A_212 = arith.constant 0 : i32
    %dma_start3A_213 = tpu.memref_slice %arg2[%dma_start3A_211, %dma_start3A_212] : memref<65536x128xf32, #tpu.memory_space<hbm>> -> memref<8192x128xf32, #tpu.memory_space<hbm>>
    %dma_start3A_214 = arith.constant 0 : i32
    %dma_start3A_215 = arith.constant 0 : i32
    %dma_start3A_216 = tpu.memref_slice %arg3[%dma_start3A_207, %dma_start3A_214, %dma_start3A_215] : memref<6x8192x128xf32, #tpu.memory_space<vmem>> -> memref<1x8192x128xf32, #tpu.memory_space<vmem>>
    %dma_start3A_217 = tpu.memref_squeeze %dma_start3A_216 : memref<1x8192x128xf32, #tpu.memory_space<vmem>> -> memref<8192x128xf32, #tpu.memory_space<vmem>>
    tpu.enqueue_dma source(%dma_start3A_217 : memref<8192x128xf32, #tpu.memory_space<vmem>>) target(%dma_start3A_213 : memref<8192x128xf32, #tpu.memory_space<hbm>>) target_semaphore(%dma_start3A_210 : memref<!tpu.dma_semaphore, #tpu.memory_space<semaphore_mem>>)
    %dma_wait3A_218 = arith.constant 4 : i32
    %dma_wait3A_219 = arith.constant 4 : i32
    %dma_wait3A_220 = tpu.memref_slice %arg4[%dma_wait3A_219] : memref<6x!tpu.dma_semaphore, #tpu.memory_space<semaphore_mem>> -> memref<1x!tpu.dma_semaphore, #tpu.memory_space<semaphore_mem>>
    %dma_wait3A_221 = tpu.memref_squeeze %dma_wait3A_220 : memref<1x!tpu.dma_semaphore, #tpu.memory_space<semaphore_mem>> -> memref<!tpu.dma_semaphore, #tpu.memory_space<semaphore_mem>>
    %dma_wait3A_222 = arith.constant 0 : i32
    %dma_wait3A_223 = arith.constant 0 : i32
    %dma_wait3A_224 = tpu.memref_slice %arg3[%dma_wait3A_218, %dma_wait3A_222, %dma_wait3A_223] : memref<6x8192x128xf32, #tpu.memory_space<vmem>> -> memref<1x8192x128xf32, #tpu.memory_space<vmem>>
    %dma_wait3A_225 = tpu.memref_squeeze %dma_wait3A_224 : memref<1x8192x128xf32, #tpu.memory_space<vmem>> -> memref<8192x128xf32, #tpu.memory_space<vmem>>
    %dma_wait3A_226 = arith.constant 19040 : i32
    %dma_wait3A_227 = arith.constant 0 : i32
    %dma_wait3A_228 = tpu.memref_slice %arg1[%dma_wait3A_226, %dma_wait3A_227] : memref<65536x128xf32, #tpu.memory_space<hbm>> -> memref<8192x128xf32, #tpu.memory_space<hbm>>
    tpu.wait_dma2 semaphore(%dma_wait3A_221 : memref<!tpu.dma_semaphore, #tpu.memory_space<semaphore_mem>>) src(%dma_wait3A_228 : memref<8192x128xf32, #tpu.memory_space<hbm>>) dst(%dma_wait3A_225 : memref<8192x128xf32, #tpu.memory_space<vmem>>)
    %dma_start3A_229 = arith.constant 4 : i32
    %dma_start3A_230 = arith.constant 4 : i32
    %dma_start3A_231 = tpu.memref_slice %arg5[%dma_start3A_230] : memref<6x!tpu.dma_semaphore, #tpu.memory_space<semaphore_mem>> -> memref<1x!tpu.dma_semaphore, #tpu.memory_space<semaphore_mem>>
    %dma_start3A_232 = tpu.memref_squeeze %dma_start3A_231 : memref<1x!tpu.dma_semaphore, #tpu.memory_space<semaphore_mem>> -> memref<!tpu.dma_semaphore, #tpu.memory_space<semaphore_mem>>
    %dma_start3A_233 = arith.constant 19040 : i32
    %dma_start3A_234 = arith.constant 0 : i32
    %dma_start3A_235 = tpu.memref_slice %arg2[%dma_start3A_233, %dma_start3A_234] : memref<65536x128xf32, #tpu.memory_space<hbm>> -> memref<8192x128xf32, #tpu.memory_space<hbm>>
    %dma_start3A_236 = arith.constant 0 : i32
    %dma_start3A_237 = arith.constant 0 : i32
    %dma_start3A_238 = tpu.memref_slice %arg3[%dma_start3A_229, %dma_start3A_236, %dma_start3A_237] : memref<6x8192x128xf32, #tpu.memory_space<vmem>> -> memref<1x8192x128xf32, #tpu.memory_space<vmem>>
    %dma_start3A_239 = tpu.memref_squeeze %dma_start3A_238 : memref<1x8192x128xf32, #tpu.memory_space<vmem>> -> memref<8192x128xf32, #tpu.memory_space<vmem>>
    tpu.enqueue_dma source(%dma_start3A_239 : memref<8192x128xf32, #tpu.memory_space<vmem>>) target(%dma_start3A_235 : memref<8192x128xf32, #tpu.memory_space<hbm>>) target_semaphore(%dma_start3A_232 : memref<!tpu.dma_semaphore, #tpu.memory_space<semaphore_mem>>)
    %dma_wait3A_240 = arith.constant 5 : i32
    %dma_wait3A_241 = arith.constant 5 : i32
    %dma_wait3A_242 = tpu.memref_slice %arg4[%dma_wait3A_241] : memref<6x!tpu.dma_semaphore, #tpu.memory_space<semaphore_mem>> -> memref<1x!tpu.dma_semaphore, #tpu.memory_space<semaphore_mem>>
    %dma_wait3A_243 = tpu.memref_squeeze %dma_wait3A_242 : memref<1x!tpu.dma_semaphore, #tpu.memory_space<semaphore_mem>> -> memref<!tpu.dma_semaphore, #tpu.memory_space<semaphore_mem>>
    %dma_wait3A_244 = arith.constant 0 : i32
    %dma_wait3A_245 = arith.constant 0 : i32
    %dma_wait3A_246 = tpu.memref_slice %arg3[%dma_wait3A_240, %dma_wait3A_244, %dma_wait3A_245] : memref<6x8192x128xf32, #tpu.memory_space<vmem>> -> memref<1x8192x128xf32, #tpu.memory_space<vmem>>
    %dma_wait3A_247 = tpu.memref_squeeze %dma_wait3A_246 : memref<1x8192x128xf32, #tpu.memory_space<vmem>> -> memref<8192x128xf32, #tpu.memory_space<vmem>>
    %dma_wait3A_248 = arith.constant 27232 : i32
    %dma_wait3A_249 = arith.constant 0 : i32
    %dma_wait3A_250 = tpu.memref_slice %arg1[%dma_wait3A_248, %dma_wait3A_249] : memref<65536x128xf32, #tpu.memory_space<hbm>> -> memref<8192x128xf32, #tpu.memory_space<hbm>>
    tpu.wait_dma2 semaphore(%dma_wait3A_243 : memref<!tpu.dma_semaphore, #tpu.memory_space<semaphore_mem>>) src(%dma_wait3A_250 : memref<8192x128xf32, #tpu.memory_space<hbm>>) dst(%dma_wait3A_247 : memref<8192x128xf32, #tpu.memory_space<vmem>>)
    %dma_start3A_251 = arith.constant 5 : i32
    %dma_start3A_252 = arith.constant 5 : i32
    %dma_start3A_253 = tpu.memref_slice %arg5[%dma_start3A_252] : memref<6x!tpu.dma_semaphore, #tpu.memory_space<semaphore_mem>> -> memref<1x!tpu.dma_semaphore, #tpu.memory_space<semaphore_mem>>
    %dma_start3A_254 = tpu.memref_squeeze %dma_start3A_253 : memref<1x!tpu.dma_semaphore, #tpu.memory_space<semaphore_mem>> -> memref<!tpu.dma_semaphore, #tpu.memory_space<semaphore_mem>>
    %dma_start3A_255 = arith.constant 27232 : i32
    %dma_start3A_256 = arith.constant 0 : i32
    %dma_start3A_257 = tpu.memref_slice %arg2[%dma_start3A_255, %dma_start3A_256] : memref<65536x128xf32, #tpu.memory_space<hbm>> -> memref<8192x128xf32, #tpu.memory_space<hbm>>
    %dma_start3A_258 = arith.constant 0 : i32
    %dma_start3A_259 = arith.constant 0 : i32
    %dma_start3A_260 = tpu.memref_slice %arg3[%dma_start3A_251, %dma_start3A_258, %dma_start3A_259] : memref<6x8192x128xf32, #tpu.memory_space<vmem>> -> memref<1x8192x128xf32, #tpu.memory_space<vmem>>
    %dma_start3A_261 = tpu.memref_squeeze %dma_start3A_260 : memref<1x8192x128xf32, #tpu.memory_space<vmem>> -> memref<8192x128xf32, #tpu.memory_space<vmem>>
    tpu.enqueue_dma source(%dma_start3A_261 : memref<8192x128xf32, #tpu.memory_space<vmem>>) target(%dma_start3A_257 : memref<8192x128xf32, #tpu.memory_space<hbm>>) target_semaphore(%dma_start3A_254 : memref<!tpu.dma_semaphore, #tpu.memory_space<semaphore_mem>>)
    %dma_wait3A_262 = arith.constant 0 : i32
    %dma_wait3A_263 = arith.constant 0 : i32
    %dma_wait3A_264 = tpu.memref_slice %arg4[%dma_wait3A_263] : memref<6x!tpu.dma_semaphore, #tpu.memory_space<semaphore_mem>> -> memref<1x!tpu.dma_semaphore, #tpu.memory_space<semaphore_mem>>
    %dma_wait3A_265 = tpu.memref_squeeze %dma_wait3A_264 : memref<1x!tpu.dma_semaphore, #tpu.memory_space<semaphore_mem>> -> memref<!tpu.dma_semaphore, #tpu.memory_space<semaphore_mem>>
    %dma_wait3A_266 = arith.constant 0 : i32
    %dma_wait3A_267 = arith.constant 0 : i32
    %dma_wait3A_268 = tpu.memref_slice %arg3[%dma_wait3A_262, %dma_wait3A_266, %dma_wait3A_267] : memref<6x8192x128xf32, #tpu.memory_space<vmem>> -> memref<1x8192x128xf32, #tpu.memory_space<vmem>>
    %dma_wait3A_269 = tpu.memref_squeeze %dma_wait3A_268 : memref<1x8192x128xf32, #tpu.memory_space<vmem>> -> memref<8192x128xf32, #tpu.memory_space<vmem>>
    %dma_wait3A_270 = arith.constant 35424 : i32
    %dma_wait3A_271 = arith.constant 0 : i32
    %dma_wait3A_272 = tpu.memref_slice %arg1[%dma_wait3A_270, %dma_wait3A_271] : memref<65536x128xf32, #tpu.memory_space<hbm>> -> memref<8192x128xf32, #tpu.memory_space<hbm>>
    tpu.wait_dma2 semaphore(%dma_wait3A_265 : memref<!tpu.dma_semaphore, #tpu.memory_space<semaphore_mem>>) src(%dma_wait3A_272 : memref<8192x128xf32, #tpu.memory_space<hbm>>) dst(%dma_wait3A_269 : memref<8192x128xf32, #tpu.memory_space<vmem>>)
    %dma_start3A_273 = arith.constant 0 : i32
    %dma_start3A_274 = arith.constant 0 : i32
    %dma_start3A_275 = tpu.memref_slice %arg5[%dma_start3A_274] : memref<6x!tpu.dma_semaphore, #tpu.memory_space<semaphore_mem>> -> memref<1x!tpu.dma_semaphore, #tpu.memory_space<semaphore_mem>>
    %dma_start3A_276 = tpu.memref_squeeze %dma_start3A_275 : memref<1x!tpu.dma_semaphore, #tpu.memory_space<semaphore_mem>> -> memref<!tpu.dma_semaphore, #tpu.memory_space<semaphore_mem>>
    %dma_start3A_277 = arith.constant 35424 : i32
    %dma_start3A_278 = arith.constant 0 : i32
    %dma_start3A_279 = tpu.memref_slice %arg2[%dma_start3A_277, %dma_start3A_278] : memref<65536x128xf32, #tpu.memory_space<hbm>> -> memref<8192x128xf32, #tpu.memory_space<hbm>>
    %dma_start3A_280 = arith.constant 0 : i32
    %dma_start3A_281 = arith.constant 0 : i32
    %dma_start3A_282 = tpu.memref_slice %arg3[%dma_start3A_273, %dma_start3A_280, %dma_start3A_281] : memref<6x8192x128xf32, #tpu.memory_space<vmem>> -> memref<1x8192x128xf32, #tpu.memory_space<vmem>>
    %dma_start3A_283 = tpu.memref_squeeze %dma_start3A_282 : memref<1x8192x128xf32, #tpu.memory_space<vmem>> -> memref<8192x128xf32, #tpu.memory_space<vmem>>
    tpu.enqueue_dma source(%dma_start3A_283 : memref<8192x128xf32, #tpu.memory_space<vmem>>) target(%dma_start3A_279 : memref<8192x128xf32, #tpu.memory_space<hbm>>) target_semaphore(%dma_start3A_276 : memref<!tpu.dma_semaphore, #tpu.memory_space<semaphore_mem>>)
    %dma_wait3A_284 = arith.constant 1 : i32
    %dma_wait3A_285 = arith.constant 1 : i32
    %dma_wait3A_286 = tpu.memref_slice %arg4[%dma_wait3A_285] : memref<6x!tpu.dma_semaphore, #tpu.memory_space<semaphore_mem>> -> memref<1x!tpu.dma_semaphore, #tpu.memory_space<semaphore_mem>>
    %dma_wait3A_287 = tpu.memref_squeeze %dma_wait3A_286 : memref<1x!tpu.dma_semaphore, #tpu.memory_space<semaphore_mem>> -> memref<!tpu.dma_semaphore, #tpu.memory_space<semaphore_mem>>
    %dma_wait3A_288 = arith.constant 0 : i32
    %dma_wait3A_289 = arith.constant 0 : i32
    %dma_wait3A_290 = tpu.memref_slice %arg3[%dma_wait3A_284, %dma_wait3A_288, %dma_wait3A_289] : memref<6x8192x128xf32, #tpu.memory_space<vmem>> -> memref<1x8192x128xf32, #tpu.memory_space<vmem>>
    %dma_wait3A_291 = tpu.memref_squeeze %dma_wait3A_290 : memref<1x8192x128xf32, #tpu.memory_space<vmem>> -> memref<8192x128xf32, #tpu.memory_space<vmem>>
    %dma_wait3A_292 = arith.constant 43616 : i32
    %dma_wait3A_293 = arith.constant 0 : i32
    %dma_wait3A_294 = tpu.memref_slice %arg1[%dma_wait3A_292, %dma_wait3A_293] : memref<65536x128xf32, #tpu.memory_space<hbm>> -> memref<8192x128xf32, #tpu.memory_space<hbm>>
    tpu.wait_dma2 semaphore(%dma_wait3A_287 : memref<!tpu.dma_semaphore, #tpu.memory_space<semaphore_mem>>) src(%dma_wait3A_294 : memref<8192x128xf32, #tpu.memory_space<hbm>>) dst(%dma_wait3A_291 : memref<8192x128xf32, #tpu.memory_space<vmem>>)
    %dma_start3A_295 = arith.constant 1 : i32
    %dma_start3A_296 = arith.constant 1 : i32
    %dma_start3A_297 = tpu.memref_slice %arg5[%dma_start3A_296] : memref<6x!tpu.dma_semaphore, #tpu.memory_space<semaphore_mem>> -> memref<1x!tpu.dma_semaphore, #tpu.memory_space<semaphore_mem>>
    %dma_start3A_298 = tpu.memref_squeeze %dma_start3A_297 : memref<1x!tpu.dma_semaphore, #tpu.memory_space<semaphore_mem>> -> memref<!tpu.dma_semaphore, #tpu.memory_space<semaphore_mem>>
    %dma_start3A_299 = arith.constant 43616 : i32
    %dma_start3A_300 = arith.constant 0 : i32
    %dma_start3A_301 = tpu.memref_slice %arg2[%dma_start3A_299, %dma_start3A_300] : memref<65536x128xf32, #tpu.memory_space<hbm>> -> memref<8192x128xf32, #tpu.memory_space<hbm>>
    %dma_start3A_302 = arith.constant 0 : i32
    %dma_start3A_303 = arith.constant 0 : i32
    %dma_start3A_304 = tpu.memref_slice %arg3[%dma_start3A_295, %dma_start3A_302, %dma_start3A_303] : memref<6x8192x128xf32, #tpu.memory_space<vmem>> -> memref<1x8192x128xf32, #tpu.memory_space<vmem>>
    %dma_start3A_305 = tpu.memref_squeeze %dma_start3A_304 : memref<1x8192x128xf32, #tpu.memory_space<vmem>> -> memref<8192x128xf32, #tpu.memory_space<vmem>>
    tpu.enqueue_dma source(%dma_start3A_305 : memref<8192x128xf32, #tpu.memory_space<vmem>>) target(%dma_start3A_301 : memref<8192x128xf32, #tpu.memory_space<hbm>>) target_semaphore(%dma_start3A_298 : memref<!tpu.dma_semaphore, #tpu.memory_space<semaphore_mem>>)
    %dma_wait3A_306 = arith.constant 2 : i32
    %dma_wait3A_307 = arith.constant 2 : i32
    %dma_wait3A_308 = tpu.memref_slice %arg4[%dma_wait3A_307] : memref<6x!tpu.dma_semaphore, #tpu.memory_space<semaphore_mem>> -> memref<1x!tpu.dma_semaphore, #tpu.memory_space<semaphore_mem>>
    %dma_wait3A_309 = tpu.memref_squeeze %dma_wait3A_308 : memref<1x!tpu.dma_semaphore, #tpu.memory_space<semaphore_mem>> -> memref<!tpu.dma_semaphore, #tpu.memory_space<semaphore_mem>>
    %dma_wait3A_310 = arith.constant 0 : i32
    %dma_wait3A_311 = arith.constant 0 : i32
    %dma_wait3A_312 = tpu.memref_slice %arg3[%dma_wait3A_306, %dma_wait3A_310, %dma_wait3A_311] : memref<6x8192x128xf32, #tpu.memory_space<vmem>> -> memref<1x8192x128xf32, #tpu.memory_space<vmem>>
    %dma_wait3A_313 = tpu.memref_squeeze %dma_wait3A_312 : memref<1x8192x128xf32, #tpu.memory_space<vmem>> -> memref<8192x128xf32, #tpu.memory_space<vmem>>
    %dma_wait3A_314 = arith.constant 51808 : i32
    %dma_wait3A_315 = arith.constant 0 : i32
    %dma_wait3A_316 = tpu.memref_slice %arg1[%dma_wait3A_314, %dma_wait3A_315] : memref<65536x128xf32, #tpu.memory_space<hbm>> -> memref<8192x128xf32, #tpu.memory_space<hbm>>
    tpu.wait_dma2 semaphore(%dma_wait3A_309 : memref<!tpu.dma_semaphore, #tpu.memory_space<semaphore_mem>>) src(%dma_wait3A_316 : memref<8192x128xf32, #tpu.memory_space<hbm>>) dst(%dma_wait3A_313 : memref<8192x128xf32, #tpu.memory_space<vmem>>)
    %dma_start3A_317 = arith.constant 2 : i32
    %dma_start3A_318 = arith.constant 2 : i32
    %dma_start3A_319 = tpu.memref_slice %arg5[%dma_start3A_318] : memref<6x!tpu.dma_semaphore, #tpu.memory_space<semaphore_mem>> -> memref<1x!tpu.dma_semaphore, #tpu.memory_space<semaphore_mem>>
    %dma_start3A_320 = tpu.memref_squeeze %dma_start3A_319 : memref<1x!tpu.dma_semaphore, #tpu.memory_space<semaphore_mem>> -> memref<!tpu.dma_semaphore, #tpu.memory_space<semaphore_mem>>
    %dma_start3A_321 = arith.constant 51808 : i32
    %dma_start3A_322 = arith.constant 0 : i32
    %dma_start3A_323 = tpu.memref_slice %arg2[%dma_start3A_321, %dma_start3A_322] : memref<65536x128xf32, #tpu.memory_space<hbm>> -> memref<8192x128xf32, #tpu.memory_space<hbm>>
    %dma_start3A_324 = arith.constant 0 : i32
    %dma_start3A_325 = arith.constant 0 : i32
    %dma_start3A_326 = tpu.memref_slice %arg3[%dma_start3A_317, %dma_start3A_324, %dma_start3A_325] : memref<6x8192x128xf32, #tpu.memory_space<vmem>> -> memref<1x8192x128xf32, #tpu.memory_space<vmem>>
    %dma_start3A_327 = tpu.memref_squeeze %dma_start3A_326 : memref<1x8192x128xf32, #tpu.memory_space<vmem>> -> memref<8192x128xf32, #tpu.memory_space<vmem>>
    tpu.enqueue_dma source(%dma_start3A_327 : memref<8192x128xf32, #tpu.memory_space<vmem>>) target(%dma_start3A_323 : memref<8192x128xf32, #tpu.memory_space<hbm>>) target_semaphore(%dma_start3A_320 : memref<!tpu.dma_semaphore, #tpu.memory_space<semaphore_mem>>)
    %dma_wait3A_328 = arith.constant 3 : i32
    %dma_wait3A_329 = arith.constant 3 : i32
    %dma_wait3A_330 = tpu.memref_slice %arg5[%dma_wait3A_329] : memref<6x!tpu.dma_semaphore, #tpu.memory_space<semaphore_mem>> -> memref<1x!tpu.dma_semaphore, #tpu.memory_space<semaphore_mem>>
    %dma_wait3A_331 = tpu.memref_squeeze %dma_wait3A_330 : memref<1x!tpu.dma_semaphore, #tpu.memory_space<semaphore_mem>> -> memref<!tpu.dma_semaphore, #tpu.memory_space<semaphore_mem>>
    %dma_wait3A_332 = arith.constant 10848 : i32
    %dma_wait3A_333 = arith.constant 0 : i32
    %dma_wait3A_334 = tpu.memref_slice %arg2[%dma_wait3A_332, %dma_wait3A_333] : memref<65536x128xf32, #tpu.memory_space<hbm>> -> memref<8192x128xf32, #tpu.memory_space<hbm>>
    %dma_wait3A_335 = arith.constant 0 : i32
    %dma_wait3A_336 = arith.constant 0 : i32
    %dma_wait3A_337 = tpu.memref_slice %arg3[%dma_wait3A_328, %dma_wait3A_335, %dma_wait3A_336] : memref<6x8192x128xf32, #tpu.memory_space<vmem>> -> memref<1x8192x128xf32, #tpu.memory_space<vmem>>
    %dma_wait3A_338 = tpu.memref_squeeze %dma_wait3A_337 : memref<1x8192x128xf32, #tpu.memory_space<vmem>> -> memref<8192x128xf32, #tpu.memory_space<vmem>>
    tpu.wait_dma2 semaphore(%dma_wait3A_331 : memref<!tpu.dma_semaphore, #tpu.memory_space<semaphore_mem>>) src(%dma_wait3A_338 : memref<8192x128xf32, #tpu.memory_space<vmem>>) dst(%dma_wait3A_334 : memref<8192x128xf32, #tpu.memory_space<hbm>>)
    %dma_wait3A_339 = arith.constant 4 : i32
    %dma_wait3A_340 = arith.constant 4 : i32
    %dma_wait3A_341 = tpu.memref_slice %arg5[%dma_wait3A_340] : memref<6x!tpu.dma_semaphore, #tpu.memory_space<semaphore_mem>> -> memref<1x!tpu.dma_semaphore, #tpu.memory_space<semaphore_mem>>
    %dma_wait3A_342 = tpu.memref_squeeze %dma_wait3A_341 : memref<1x!tpu.dma_semaphore, #tpu.memory_space<semaphore_mem>> -> memref<!tpu.dma_semaphore, #tpu.memory_space<semaphore_mem>>
    %dma_wait3A_343 = arith.constant 19040 : i32
    %dma_wait3A_344 = arith.constant 0 : i32
    %dma_wait3A_345 = tpu.memref_slice %arg2[%dma_wait3A_343, %dma_wait3A_344] : memref<65536x128xf32, #tpu.memory_space<hbm>> -> memref<8192x128xf32, #tpu.memory_space<hbm>>
    %dma_wait3A_346 = arith.constant 0 : i32
    %dma_wait3A_347 = arith.constant 0 : i32
    %dma_wait3A_348 = tpu.memref_slice %arg3[%dma_wait3A_339, %dma_wait3A_346, %dma_wait3A_347] : memref<6x8192x128xf32, #tpu.memory_space<vmem>> -> memref<1x8192x128xf32, #tpu.memory_space<vmem>>
    %dma_wait3A_349 = tpu.memref_squeeze %dma_wait3A_348 : memref<1x8192x128xf32, #tpu.memory_space<vmem>> -> memref<8192x128xf32, #tpu.memory_space<vmem>>
    tpu.wait_dma2 semaphore(%dma_wait3A_342 : memref<!tpu.dma_semaphore, #tpu.memory_space<semaphore_mem>>) src(%dma_wait3A_349 : memref<8192x128xf32, #tpu.memory_space<vmem>>) dst(%dma_wait3A_345 : memref<8192x128xf32, #tpu.memory_space<hbm>>)
    %dma_wait3A_350 = arith.constant 5 : i32
    %dma_wait3A_351 = arith.constant 5 : i32
    %dma_wait3A_352 = tpu.memref_slice %arg5[%dma_wait3A_351] : memref<6x!tpu.dma_semaphore, #tpu.memory_space<semaphore_mem>> -> memref<1x!tpu.dma_semaphore, #tpu.memory_space<semaphore_mem>>
    %dma_wait3A_353 = tpu.memref_squeeze %dma_wait3A_352 : memref<1x!tpu.dma_semaphore, #tpu.memory_space<semaphore_mem>> -> memref<!tpu.dma_semaphore, #tpu.memory_space<semaphore_mem>>
    %dma_wait3A_354 = arith.constant 27232 : i32
    %dma_wait3A_355 = arith.constant 0 : i32
    %dma_wait3A_356 = tpu.memref_slice %arg2[%dma_wait3A_354, %dma_wait3A_355] : memref<65536x128xf32, #tpu.memory_space<hbm>> -> memref<8192x128xf32, #tpu.memory_space<hbm>>
    %dma_wait3A_357 = arith.constant 0 : i32
    %dma_wait3A_358 = arith.constant 0 : i32
    %dma_wait3A_359 = tpu.memref_slice %arg3[%dma_wait3A_350, %dma_wait3A_357, %dma_wait3A_358] : memref<6x8192x128xf32, #tpu.memory_space<vmem>> -> memref<1x8192x128xf32, #tpu.memory_space<vmem>>
    %dma_wait3A_360 = tpu.memref_squeeze %dma_wait3A_359 : memref<1x8192x128xf32, #tpu.memory_space<vmem>> -> memref<8192x128xf32, #tpu.memory_space<vmem>>
    tpu.wait_dma2 semaphore(%dma_wait3A_353 : memref<!tpu.dma_semaphore, #tpu.memory_space<semaphore_mem>>) src(%dma_wait3A_360 : memref<8192x128xf32, #tpu.memory_space<vmem>>) dst(%dma_wait3A_356 : memref<8192x128xf32, #tpu.memory_space<hbm>>)
    %dma_wait3A_361 = arith.constant 0 : i32
    %dma_wait3A_362 = arith.constant 0 : i32
    %dma_wait3A_363 = tpu.memref_slice %arg5[%dma_wait3A_362] : memref<6x!tpu.dma_semaphore, #tpu.memory_space<semaphore_mem>> -> memref<1x!tpu.dma_semaphore, #tpu.memory_space<semaphore_mem>>
    %dma_wait3A_364 = tpu.memref_squeeze %dma_wait3A_363 : memref<1x!tpu.dma_semaphore, #tpu.memory_space<semaphore_mem>> -> memref<!tpu.dma_semaphore, #tpu.memory_space<semaphore_mem>>
    %dma_wait3A_365 = arith.constant 35424 : i32
    %dma_wait3A_366 = arith.constant 0 : i32
    %dma_wait3A_367 = tpu.memref_slice %arg2[%dma_wait3A_365, %dma_wait3A_366] : memref<65536x128xf32, #tpu.memory_space<hbm>> -> memref<8192x128xf32, #tpu.memory_space<hbm>>
    %dma_wait3A_368 = arith.constant 0 : i32
    %dma_wait3A_369 = arith.constant 0 : i32
    %dma_wait3A_370 = tpu.memref_slice %arg3[%dma_wait3A_361, %dma_wait3A_368, %dma_wait3A_369] : memref<6x8192x128xf32, #tpu.memory_space<vmem>> -> memref<1x8192x128xf32, #tpu.memory_space<vmem>>
    %dma_wait3A_371 = tpu.memref_squeeze %dma_wait3A_370 : memref<1x8192x128xf32, #tpu.memory_space<vmem>> -> memref<8192x128xf32, #tpu.memory_space<vmem>>
    tpu.wait_dma2 semaphore(%dma_wait3A_364 : memref<!tpu.dma_semaphore, #tpu.memory_space<semaphore_mem>>) src(%dma_wait3A_371 : memref<8192x128xf32, #tpu.memory_space<vmem>>) dst(%dma_wait3A_367 : memref<8192x128xf32, #tpu.memory_space<hbm>>)
    %dma_wait3A_372 = arith.constant 1 : i32
    %dma_wait3A_373 = arith.constant 1 : i32
    %dma_wait3A_374 = tpu.memref_slice %arg5[%dma_wait3A_373] : memref<6x!tpu.dma_semaphore, #tpu.memory_space<semaphore_mem>> -> memref<1x!tpu.dma_semaphore, #tpu.memory_space<semaphore_mem>>
    %dma_wait3A_375 = tpu.memref_squeeze %dma_wait3A_374 : memref<1x!tpu.dma_semaphore, #tpu.memory_space<semaphore_mem>> -> memref<!tpu.dma_semaphore, #tpu.memory_space<semaphore_mem>>
    %dma_wait3A_376 = arith.constant 43616 : i32
    %dma_wait3A_377 = arith.constant 0 : i32
    %dma_wait3A_378 = tpu.memref_slice %arg2[%dma_wait3A_376, %dma_wait3A_377] : memref<65536x128xf32, #tpu.memory_space<hbm>> -> memref<8192x128xf32, #tpu.memory_space<hbm>>
    %dma_wait3A_379 = arith.constant 0 : i32
    %dma_wait3A_380 = arith.constant 0 : i32
    %dma_wait3A_381 = tpu.memref_slice %arg3[%dma_wait3A_372, %dma_wait3A_379, %dma_wait3A_380] : memref<6x8192x128xf32, #tpu.memory_space<vmem>> -> memref<1x8192x128xf32, #tpu.memory_space<vmem>>
    %dma_wait3A_382 = tpu.memref_squeeze %dma_wait3A_381 : memref<1x8192x128xf32, #tpu.memory_space<vmem>> -> memref<8192x128xf32, #tpu.memory_space<vmem>>
    tpu.wait_dma2 semaphore(%dma_wait3A_375 : memref<!tpu.dma_semaphore, #tpu.memory_space<semaphore_mem>>) src(%dma_wait3A_382 : memref<8192x128xf32, #tpu.memory_space<vmem>>) dst(%dma_wait3A_378 : memref<8192x128xf32, #tpu.memory_space<hbm>>)
    %dma_wait3A_383 = arith.constant 2 : i32
    %dma_wait3A_384 = arith.constant 2 : i32
    %dma_wait3A_385 = tpu.memref_slice %arg5[%dma_wait3A_384] : memref<6x!tpu.dma_semaphore, #tpu.memory_space<semaphore_mem>> -> memref<1x!tpu.dma_semaphore, #tpu.memory_space<semaphore_mem>>
    %dma_wait3A_386 = tpu.memref_squeeze %dma_wait3A_385 : memref<1x!tpu.dma_semaphore, #tpu.memory_space<semaphore_mem>> -> memref<!tpu.dma_semaphore, #tpu.memory_space<semaphore_mem>>
    %dma_wait3A_387 = arith.constant 51808 : i32
    %dma_wait3A_388 = arith.constant 0 : i32
    %dma_wait3A_389 = tpu.memref_slice %arg2[%dma_wait3A_387, %dma_wait3A_388] : memref<65536x128xf32, #tpu.memory_space<hbm>> -> memref<8192x128xf32, #tpu.memory_space<hbm>>
    %dma_wait3A_390 = arith.constant 0 : i32
    %dma_wait3A_391 = arith.constant 0 : i32
    %dma_wait3A_392 = tpu.memref_slice %arg3[%dma_wait3A_383, %dma_wait3A_390, %dma_wait3A_391] : memref<6x8192x128xf32, #tpu.memory_space<vmem>> -> memref<1x8192x128xf32, #tpu.memory_space<vmem>>
    %dma_wait3A_393 = tpu.memref_squeeze %dma_wait3A_392 : memref<1x8192x128xf32, #tpu.memory_space<vmem>> -> memref<8192x128xf32, #tpu.memory_space<vmem>>
    tpu.wait_dma2 semaphore(%dma_wait3A_386 : memref<!tpu.dma_semaphore, #tpu.memory_space<semaphore_mem>>) src(%dma_wait3A_393 : memref<8192x128xf32, #tpu.memory_space<vmem>>) dst(%dma_wait3A_389 : memref<8192x128xf32, #tpu.memory_space<hbm>>)
    return
  }
}

</mosaic_0001>

<sc_bundles>
// kernel: kernel.4.cloned.1.call-start
scs
__scs_entry_jumppad:
0x0: {  	(pc) =	sbr.rel $0x88, $3  }
0x1: {  	(tag) =	ssettag $0x0;
	lr =	simm.s32 $0x1  }
0x2: {  	[smem:$0x3F99] =	sst lr;
	_ =	strace $0xD0000000  }
0x3: {  	_ = 	snop  }
0x4: {  	_ = 	snop  }
0x5: {  	_ = 	snop  }
0x6: {  	_ = 	snop  }
0x7: {  	_ = 	snop  }
__scs_overlays_trampoline_lowered:
0x8: {  	[smem:$0x3FA8] =	sst s0  }
0x9: {  	[smem:$0x3FA9] =	sst s1  }
0xa: {  	[smem:$0x3FAA] =	sst s2  }
0xb: {  	[smem:$0x3FAB] =	sst s3  }
0xc: {  	[smem:$0x3FAC] =	sst s4  }
0xd: {  	[smem:$0x3FAD] =	sst s5  }
0xe: {  	[smem:$0x3FAE] =	sst s6  }
0xf: {  	[smem:$0x3FAF] =	sst s7  }
0x10: {  	[smem:$0x3FB0] =	sst s8  }
0x11: {  	[smem:$0x3FB1] =	sst s9;
	s0 =	simm.s32 @!p0 $0x0  }
0x12: {  	s1 =	sld [smem:$0x3F97];
	s0 =	simm.s32 @p0 $0x1  }
0x13: {  	[smem:$0x3FB2] =	sst s0;
	s0 =	simm.s32 @!p1 $0x0  }
0x14: {  	s2 =	sld [smem:$0x3F96];
	s0 =	simm.s32 @p1 $0x1  }
0x15: {  	[smem:$0x3FB3] =	sst s0;
	s0 =	simm.s32 @!p2 $0x0  }
0x16: {  	s3 =	sld [smem:$0x3FDB];
	s0 =	simm.s32 @p2 $0x1  }
0x17: {  	s4 =	simm.s32 $0x1BF5;
	[smem:$0x3FB5] =	sst s0  }
0x18: {  	s0 =	sld [smem:$0x3F98];
	_ =	swait.ge [sflag:s4], $0x0  }
0x19: {  	s7 =	sld [smem:$0x3F99]  }
0x1a: {  	s8 =	sadd.s32 $0xFFFFE003, lr  }
0x1b: {  	s9 =	sadd.s32 $0xFFFFFEF7, lr;
	s5 =	simm.s32 $0xFFFFFFFF;
	p2 =	slt.u32 s8, $0xFFFFF086  }
0x1c: {  	p1 =	slt.u32 s9, $0xF7A;
	s5 =	simm.s32 @!p2 $0x0  }
0x1d: {  	s5 =	simm.s32 @p1 $0x1;
	p0 =	seq.s32 s7, s2  }
0x1e: {  	s7 =	smul.u32 @!p0 $0xF7A, s2;
	p2 =	seq.s32 @!p0 s5, $0x0  }
0x1f: {  	s9 =	smul.u32 $0xF7A, s1;
	s8 =	simm.s32 @!p0 $0x1BF5;
	p2 =	por !p2, p0  }
0x20: {  	[sflag:s8] =	ssyncset.s32 @!p0 $0xFFFFF086;
	s6 =	sadd.s32 @!p0 s3, s7;
	s7 =	simm.s32 @!p0 $0x108  }
0x21: {  	s3 =	sadd.s32 s3, s9;
	s6 =	sadd.s32 @!p0 $0x88, s6;
	s7 =	simm.s32 @p2 $0x1082  }
0x22: {  	[simem:s7], [sflag:s8] =	dma.local @!p0 [hbm:s6], $0xF7A  }
0x23: {  	s9 =	sor.u32 $0xD0000000, s2;
	s6 =	simm.s32 $0x108;
	_ =	swait.ge @!p0 [sflag:s8], $0x0  }
0x24: {  	s3 =	sadd.s32 $0x88, s3;
	s6 =	simm.s32 @!p1 $0x1082;
	[sflag:s4] =	ssyncset.s32 $0xFFFFF086  }
0x25: {  	[simem:s6], [sflag:s4] =	dma.local [hbm:s3], $0xF7A  }
0x26: {  	[smem:$0x3F99] =	sst s1;
	(tag) =	ssettag s2;
	_ =	strace s9  }
0x27: {  	s1 =	sld [smem:$0x3FA9]  }
0x28: {  	s2 =	sld [smem:$0x3FAA]  }
0x29: {  	s4 =	sld [smem:$0x3FAC]  }
0x2a: {  	p0 =	seq.s32 s5, $0x0;
	s5 =	sld [smem:$0x3FAD]  }
0x2b: {  	s6 =	sld [smem:$0x3FAE]  }
0x2c: {  	s7 =	sld [smem:$0x3FAF]  }
0x2d: {  	s3 =	simm.s32 $0x108;
	s8 =	sld [smem:$0x3FB0]  }
0x2e: {  	s3 =	simm.s32 @!p0 $0x1082;
	s9 =	sld [smem:$0x3FB1]  }
0x2f: {  	lr =	sadd.s32 s0, s3;
	s0 =	sld [smem:$0x3FA8]  }
0x30: {  	s3 =	sld [smem:$0x3FAB]  }
0x31: {  	[smem:$0x3FB4] =	sst s10  }
0x32: {  	s10 =	sld [smem:$0x3FB2];
	_ =	sdelay $0x3  }
0x33: {  	p0 =	seq.s32 s10, $0x1;
	s10 =	sld [smem:$0x3FB4];
	_ =	sdelay $0x3  }
0x34: {  	[smem:$0x3FB4] =	sst s10  }
0x35: {  	s10 =	sld [smem:$0x3FB3];
	_ =	sdelay $0x3  }
0x36: {  	p1 =	seq.s32 s10, $0x1;
	s10 =	sld [smem:$0x3FB4];
	_ =	sdelay $0x3  }
0x37: {  	[smem:$0x3FB4] =	sst s10  }
0x38: {  	s10 =	sld [smem:$0x3FB5]  }
0x39: {  	_ = 	snop;
	(pc) =	sbr.ind lr, $3  }
0x3a: {  	_ = 	snop  }
0x3b: {  	_ = 	snop  }
0x3c: {  	p2 =	seq.s32 s10, $0x1;
	s10 =	sld [smem:$0x3FB4]  }
0x3d: {  	_ =	shalt  }
0x3e: {  	_ =	shalt  }
0x3f: {  	_ =	shalt  }
0x40: {  	_ =	shalt  }
0x41: {  	_ =	shalt  }
0x42: {  	_ =	shalt  }
0x43: {  	_ =	shalt  }
0x44: {  	_ =	shalt  }
0x45: {  	_ =	shalt  }
0x46: {  	_ =	shalt  }
0x47: {  	_ =	shalt  }
0x48: {  	_ =	shalt  }
0x49: {  	_ =	shalt  }
0x4a: {  	_ =	shalt  }
0x4b: {  	_ =	shalt  }
0x4c: {  	_ =	shalt  }
0x4d: {  	_ =	shalt  }
0x4e: {  	_ =	shalt  }
0x4f: {  	_ =	shalt  }
0x50: {  	_ =	shalt  }
0x51: {  	_ =	shalt  }
0x52: {  	_ =	shalt  }
0x53: {  	_ =	shalt  }
0x54: {  	_ =	shalt  }
0x55: {  	_ =	shalt  }
0x56: {  	_ =	shalt  }
0x57: {  	_ =	shalt  }
0x58: {  	_ =	shalt  }
0x59: {  	_ =	shalt  }
0x5a: {  	_ =	shalt  }
0x5b: {  	_ =	shalt  }
0x5c: {  	_ =	shalt  }
0x5d: {  	_ =	shalt  }
0x5e: {  	_ =	shalt  }
0x5f: {  	_ =	shalt  }
0x60: {  	_ =	shalt  }
0x61: {  	_ =	shalt  }
0x62: {  	_ =	shalt  }
0x63: {  	_ =	shalt  }
0x64: {  	_ =	shalt  }
0x65: {  	_ =	shalt  }
0x66: {  	_ =	shalt  }
0x67: {  	_ =	shalt  }
0x68: {  	_ =	shalt  }
0x69: {  	_ =	shalt  }
0x6a: {  	_ =	shalt  }
0x6b: {  	_ =	shalt  }
0x6c: {  	_ =	shalt  }
0x6d: {  	_ =	shalt  }
0x6e: {  	_ =	shalt  }
0x6f: {  	_ =	shalt  }
0x70: {  	_ =	shalt  }
0x71: {  	_ =	shalt  }
0x72: {  	_ =	shalt  }
0x73: {  	_ =	shalt  }
0x74: {  	_ =	shalt  }
0x75: {  	_ =	shalt  }
0x76: {  	_ =	shalt  }
0x77: {  	_ =	shalt  }
0x78: {  	_ =	shalt  }
0x79: {  	_ =	shalt  }
0x7a: {  	_ =	shalt  }
0x7b: {  	_ =	shalt  }
0x7c: {  	_ =	shalt  }
0x7d: {  	_ =	shalt  }
0x7e: {  	_ =	shalt  }
0x7f: {  	_ =	shalt  }
0x80: {  	_ =	shalt  }
0x81: {  	_ =	shalt  }
0x82: {  	_ =	shalt  }
0x83: {  	_ =	shalt  }
0x84: {  	_ =	shalt  }
0x85: {  	_ =	shalt  }
0x86: {  	_ =	shalt  }
0x87: {  	_ =	shalt  }
.Lfunc_end0:
.L_simem_size_0:
called_computation_lowered:
.L_overlay_start_0:
0x88: {  	s0 =	sld [smem:$0x3FD9]  }
0x89: {  	s1 =	sld [smem:$0x3FFE];
	_ =	sdelay $0x3  }
0x8a: {  	s0 =	sadd.s32 s1, s0  }
0x8b: {  	[smem:$0x3FC0] =	sst s0  }
0x8c: {  	_ = 	snop  }
0x8d: {  	s0 =	sld [smem:$0x3FC8]  }
0x8e: {  	s14 =	sld [smem:$0x3FC7]  }
0x8f: {  	s2 =	sld [smem:$0x3FC6]  }
0x90: {  	s3 =	sld [smem:$0x3FD0]  }
0x91: {  	s4 =	sld [smem:$0x3FC4]  }
0x92: {  	s5 =	sld [smem:$0x3FC3]  }
0x93: {  	s7 =	simm.s32 $0xA;
	s8 =	simm.s32 $0x10;
	s6 =	sld [smem:$0x3FC2]  }
0x94: {  	[smem:s8], [sflag:s7] =	dma.local [hbm:s3], $0x1  }
0x95: {  	_ =	swait.eq [sflag:s7], $0x1  }
0x96: {  	s15 =	sld [smem:$0x11];
	[sflag:s7] =	ssyncset.done $0x0  }
0x97: {  	s16 =	sld [smem:$0x12];
	[sflag:s7] =	ssyncadd.s32 $0xFFFFFFFF  }
0x98: {  	s17 =	sld [smem:$0x13];
	(tm) =	ssettm $0x1  }
0x99: {  	s9 =	sld [smem:$0x3FFB];
	_ =	sdelay $0x3  }
0x9a: {  	_ =	strace s9  }
0x9b: {  	s9 =	sld [smem:$0x3FFC];
	_ =	sdelay $0x3  }
0x9c: {  	_ =	strace s9  }
0x9d: {  	s9 =	sld [smem:$0x3FFD];
	_ =	sdelay $0x3  }
0x9e: {  	_ =	strace s9  }
0x9f: {  	_ =	strace $0x8FFFFFFF  }
0xa0: {  	s18 =	sld [smem:$0x3FDB];
	_ =	sdelay $0x1  }
0xa1: {  	s10 =	simm.s32 $_scs_section_size  }
0xa2: {  	s11 =	simm.s32 $_size__tile_overlayer_lowered;
	s12 =	simm.s32 $_tile_overlayer_lowered  }
0xa3: {  	s21 =	simm.s32 $0x1BFF;
	s20 =	sshll.u32 s12, $0x1;
	s9 =	sadd.s32 s10, s18  }
0xa4: {  	s13 =	simm.s32 $0x0;
	s19 =	sshll.u32 s11, $0x1;
	s11 =	sadd.s32 s20, s9  }
0xa5: {  	[timem:s13], [sflag:s21] =	dma.local [hbm:s11], s19  }
0xa6: {  	_ =	swait.ge [sflag:s21], s19  }
0xa7: {  	s10 =	ssub.s32 $0x0, s19;
	[sflag:s21] =	ssyncset.done $0x0  }
0xa8: {  	[sflag:s21] =	ssyncadd.s32 s10;
	_ =	sdelay $0x1  }
0xa9: {  	s22 =	simm.s32 $0x1B8B  }
0xaa: {  	_ =	swait.ge [sflag:s22], $0x1  }
0xab: {  	[sflag:s22] =	ssyncset.done $0x0  }
0xac: {  	s23 =	simm.s32 $0x1B8E;
	[sflag:s22] =	ssyncadd.s32 $0xFFFFFFFF  }
0xad: {  	s24 =	simm.s32 $execute0_lowered;
	[smem:$0x3FD2] =	sst s23  }
0xae: {  	s10 =	sshll.u32 s24, $0x1;
	_ =	strace $0x80000046;
	[dreg:$0x1] =	wrdreg $0xFFFFFFFF  }
0xaf: {  	s25 =	simm.s32 $_size_execute0_lowered;
	s9 =	sadd.s32 s9, s10;
	[dreg:$0x0] =	wrdreg $0x0  }
0xb0: {  	s10 =	sshll.u32 s25, $0x1;
	[dreg:$0x2] =	wrdreg s9  }
0xb1: {  	[dreg:$0x3] =	wrdreg s10  }
0xb2: {  	[dreg:$0x4] =	wrdreg $0xC0  }
0xb3: {  	_ =	task [dreg:s13], $0x5FFFF  }
0xb4: {  	[dreg:$0x1] =	wrdreg $0xFFFFFFFF  }
0xb5: {  	[dreg:$0x0] =	wrdreg $0x60  }
0xb6: {  	[dreg:$0x2] =	wrdreg s0  }
0xb7: {  	[dreg:$0x3] =	wrdreg s14  }
0xb8: {  	[dreg:$0x4] =	wrdreg s2  }
0xb9: {  	[dreg:$0x5] =	wrdreg s4  }
0xba: {  	[dreg:$0x6] =	wrdreg s5  }
0xbb: {  	[dreg:$0x7] =	wrdreg s6  }
0xbc: {  	[dreg:$0x8] =	wrdreg s15  }
0xbd: {  	[dreg:$0x9] =	wrdreg s16  }
0xbe: {  	[dreg:$0xa] =	wrdreg s17  }
0xbf: {  	[dreg:$0xb] =	wrdreg $0x9  }
0xc0: {  	_ =	task.clear_ibuf [dreg:s13], $0xCFFFF;
	_ =	strace $0x90000046  }
0xc1: {  	s26 =	simm.s32 $0x9;
	_ =	strace $0x80000048  }
0xc2: {  	_ =	swait.ge [sflag:s26], $0x1  }
0xc3: {  	[sflag:s26] =	ssyncadd.s32 $0xFFFFFFFF  }
0xc4: {  	_ =	strace $0x90000048  }
0xc5: {  	_ =	sfence  }
0xc6: {  	s28 =	sld [smem:$0x0];
	_ =	sdelay $0x1  }
0xc7: {  	s29 =	srdreg.scid  }
0xc8: {  	s30 =	sshll.u32 s29, $0xD;
	s31 =	sshrl.u32 s29, $0x2  }
0xc9: {  	s1 =	sand.u32 $0x1, s29;
	s2 =	sand.u32 $0x4000, s30;
	s0 =	sadd.s32 s31, s28  }
0xca: {  	s1 =	sor.u32 s2, s1;
	s0 =	sshll.u32 s0, $0x11  }
0xcb: {  	s0 =	sor.u32 s0, s1  }
0xcc: {  	s0 =	sadd.s32 $0x8F2B, s0  }
0xcd: {  	[sflag:s0] =	ssyncadd.remote.s32 $0x1  }
0xce: {  	_ =	sfence.sel $0xFFFF  }
0xcf: {  	[dreg:$0x0] =	wrdreg $0xFFFFFFFF;
	(pc) =	sbr.abs _section_cstart, $3  }
0xd0: {  	[dreg:$0x1] =	wrdreg $0xFFFFFFFF  }
0xd1: {  	_ =	task.clear_ibuf [dreg:s13], $0x2FFFF;
	_ =	strace $0x9FFFFFFF  }
0xd2: {  	(tm) =	ssettm $0x7FFFFFFF  }
0xd3: {  	_ =	shalt  }
tec
execute0_lowered:
.L_overlay_start_1:
0x0: {  	(tag) =	ssettag $0x1  }
0x1: {  	s3 =	rddreg [dreg:$0x0]  }
0x2: {  	s7 =	rddreg [dreg:$0x1]  }
0x3: {  	s8 =	rddreg [dreg:$0x2]  }
0x4: {  	s10 =	rddreg [dreg:$0x3]  }
0x5: {  	s9 =	rddreg [dreg:$0x4];
	s1 =	stileid.u32  }
0x6: {  	s6 =	rddreg [dreg:$0x5];
	p0 =	sgt.s32 s1, $0x3  }
.Ltmp0:
0x7: {  	s2 =	rddreg [dreg:$0x6];
	(pc) =	sbr.rel @!p0 .LBB2_1-.Ltmp0, $4  }
0x8: {  	s4 =	rddreg [dreg:$0x7]  }
0x9: {  	s5 =	rddreg [dreg:$0x8];
	s11 =	simm.s32 $0x0  }
0xa: {  	[smem:$0x7FF] =	sst s11  }
0xb: {  	s0 =	rddreg [dreg:$0x9];
	_ =	strace $0x80000047  }
0xc: {  	p0 =	sgt.s32 s1, $0x5  }
.Ltmp1:
0xd: {  	_ = 	snop;
	(pc) =	sbr.rel @!p0 .LBB2_3-.Ltmp1, $1  }
0xe: {  	_ =	sdelay $0x3  }
0xf: {  	p0 =	seq.s32 s1, $0x6  }
0x10: {  	s2 =	simm.s32 @p0 $0x0;
	s3 =	simm.s32 @p0 $0xC000;
	s4 =	simm.s32 @p0 $0x1  }
0x11: {  	[tilespmem:s3], [sflag:$0x1] =	stream.linear.gather @p0 [hbm4b:s8+s2], $0x15A0, $0x38;
	[tilespmem:$0x18000] =	vst v63  }
0x12: {  	_ =	swait.ge @p0 [sflag:s4], $0x15A0  }
0x13: {  	[sflag:s4] =	ssyncset.done @p0 $0x0  }
0x14: {  	s7 =	sadd.s32 @p0 $0x1D4C, s5;
	p1 =	seq.s32 @!p0 s1, $0x7;
	[sflag:s4] =	ssyncadd.s32 @p0 $0xFFFFEA60  }
0x15: {  	[hbm4b:s7+s2] =	stream.linear.scatter @p0 [tilespmem:s3], [sflag:$0x1], $0x15A0, $0x38;
	[tilespmem:$0x18000] =	vst v63  }
0x16: {  	p2 =	por !p1, p0;
	_ =	swait.ge @p0 [sflag:s4], $0x15A0  }
0x17: {  	s2 =	sadd.s32 @!p2 $0x2B4, s8;
	[sflag:s4] =	ssyncset.done @p0 $0x0  }
0x18: {  	s3 =	simm.s32 @!p2 $0x0;
	[sflag:s4] =	ssyncadd.s32 @p0 $0xFFFFEA60;
	s4 =	simm.s32 @!p2 $0xC000  }
0x19: {  	[tilespmem:s4], [sflag:$0x1] =	stream.linear.gather @!p2 [hbm4b:s2+s3], $0x2A60, $0x38;
	[tilespmem:$0x18000] =	vst v63  }
0x1a: {  	s2 =	simm.s32 @!p2 $0x1  }
0x1b: {  	p3 =	por p1, p0;
	_ =	swait.ge @!p2 [sflag:s2], $0x2A60  }
0x1c: {  	p3 =	seq.s32 @!p3 s1, $0x8;
	[sflag:s2] =	ssyncset.done @!p2 $0x0  }
0x1d: {  	p1 =	por @!p0 !p3, p1;
	[sflag:s2] =	ssyncadd.s32 @!p2 $0xFFFFD5A0  }
0x1e: {  	[hbm4b:s5+s3] =	stream.linear.scatter @!p2 [tilespmem:s4], [sflag:$0x1], $0x2A60, $0x38;
	[tilespmem:$0x18000] =	vst v63  }
0x1f: {  	p0 =	por p1, p0;
	_ =	swait.ge @!p2 [sflag:s2], $0x2A60  }
0x20: {  	s3 =	simm.s32 @!p0 $0x0;
	[sflag:s2] =	ssyncset.done @!p2 $0x0  }
0x21: {  	s4 =	simm.s32 @!p0 $0xC000;
	[sflag:s2] =	ssyncadd.s32 @!p2 $0xFFFFD5A0;
	s2 =	sadd.s32 @!p0 $0x54C, s6  }
0x22: {  	[tilespmem:s4], [sflag:$0x1] =	stream.linear.gather @!p0 [hbm4b:s2+s3], $0xC000, $0x38;
	[tilespmem:$0x18000] =	vst v63  }
0x23: {  	s2 =	simm.s32 @!p0 $0x1  }
0x24: {  	_ =	swait.ge @!p0 [sflag:s2], $0xC000  }
0x25: {  	[sflag:s2] =	ssyncset.done @!p0 $0x0  }
.Ltmp2:
0x26: {  	s5 =	sadd.s32 @!p0 $0x54C, s5;
	[sflag:s2] =	ssyncadd.s32 @!p0 $0xFFFF4000;
	(pc) =	sbr.rel .LBB2_5-.Ltmp2, $4  }
0x27: {  	[hbm4b:s5+s3] =	stream.linear.scatter @!p0 [tilespmem:s4], [sflag:$0x1], $0xC000, $0x38;
	[tilespmem:$0x18000] =	vst v63  }
0x28: {  	_ =	swait.ge @!p0 [sflag:s2], $0xC000  }
0x29: {  	[sflag:s2] =	ssyncset.done @!p0 $0x0  }
0x2a: {  	[sflag:s2] =	ssyncadd.s32 @!p0 $0xFFFF4000  }
.LBB2_1:
0x2b: {  	p0 =	sgt.s32 s1, $0x1  }
0x2c: {  	p2 =	seq.s32 @p0 s1, $0x2  }
0x2d: {  	p1 =	por !p2, !p0  }
0x2e: {  	s5 =	sadd.s32 @!p1 $0x54C, s10;
	s6 =	simm.s32 @!p1 $0x0  }
0x2f: {  	[tilespmem:s6], [sflag:$0x1] =	stream.linear.gather @!p1 [hbm4b:s5+s6], $0xC000, $0x38;
	[tilespmem:$0x18000] =	vst v63  }
0x30: {  	s5 =	simm.s32 @!p1 $0x1  }
0x31: {  	_ =	swait.ge @!p1 [sflag:s5], $0xC000  }
0x32: {  	p3 =	por p2, !p0;
	[sflag:s5] =	ssyncset.done @!p1 $0x0  }
0x33: {  	s8 =	sadd.s32 @!p1 $0x54C, s2;
	p3 =	seq.s32 @!p3 s1, $0x3;
	[sflag:s5] =	ssyncadd.s32 @!p1 $0xFFFF4000  }
0x34: {  	[hbm4b:s8+s6] =	stream.linear.scatter @!p1 [tilespmem:s6], [sflag:$0x1], $0xC000, $0x38;
	[tilespmem:$0x18000] =	vst v63  }
0x35: {  	p2 =	por @p0 !p3, p2;
	_ =	swait.ge @!p1 [sflag:s5], $0xC000  }
0x36: {  	p2 =	por p2, !p0;
	[sflag:s5] =	ssyncset.done @!p1 $0x0  }
0x37: {  	s6 =	simm.s32 @!p2 $0x1;
	[sflag:s5] =	ssyncadd.s32 @!p1 $0xFFFF4000;
	s5 =	simm.s32 @!p2 $0x0  }
0x38: {  	[tilespmem:s5], [sflag:$0x1] =	stream.linear.gather @!p2 [hbm4b:s7+s5], $0x15A0, $0x38;
	[tilespmem:$0x18000] =	vst v63  }
0x39: {  	_ =	swait.ge @!p2 [sflag:s6], $0x15A0  }
0x3a: {  	[sflag:s6] =	ssyncset.done @!p2 $0x0  }
0x3b: {  	s4 =	sadd.s32 @!p2 $0x1D4C, s4;
	[sflag:s6] =	ssyncadd.s32 @!p2 $0xFFFFEA60  }
0x3c: {  	[hbm4b:s4+s5] =	stream.linear.scatter @!p2 [tilespmem:s5], [sflag:$0x1], $0x15A0, $0x38;
	[tilespmem:$0x18000] =	vst v63  }
0x3d: {  	p3 =	seq.s32 @!p0 s1, $0x0;
	_ =	swait.ge @!p2 [sflag:s6], $0x15A0  }
0x3e: {  	p1 =	por !p3, p0;
	[sflag:s6] =	ssyncset.done @!p2 $0x0  }
0x3f: {  	s4 =	simm.s32 @!p1 $0x0;
	s5 =	simm.s32 @!p1 $0x1;
	[sflag:s6] =	ssyncadd.s32 @!p2 $0xFFFFEA60  }
0x40: {  	[tilespmem:s4], [sflag:$0x1] =	stream.linear.gather @!p1 [hbm4b:s3+s4], $0x15A0, $0x38;
	[tilespmem:$0x18000] =	vst v63  }
0x41: {  	_ =	swait.ge @!p1 [sflag:s5], $0x15A0  }
0x42: {  	p2 =	por p3, p0;
	[sflag:s5] =	ssyncset.done @!p1 $0x0  }
0x43: {  	s6 =	sadd.s32 @!p1 $0x1D4C, s2;
	p2 =	seq.s32 @!p2 s1, $0x1;
	[sflag:s5] =	ssyncadd.s32 @!p1 $0xFFFFEA60  }
0x44: {  	[hbm4b:s6+s4] =	stream.linear.scatter @!p1 [tilespmem:s4], [sflag:$0x1], $0x15A0, $0x38;
	[tilespmem:$0x18000] =	vst v63  }
0x45: {  	p2 =	por @!p0 !p2, p3;
	_ =	swait.ge @!p1 [sflag:s5], $0x15A0  }
0x46: {  	p0 =	por p2, p0;
	[sflag:s5] =	ssyncset.done @!p1 $0x0  }
0x47: {  	s3 =	sadd.s32 @!p0 $0x2B4, s3;
	s4 =	simm.s32 @!p0 $0x0;
	[sflag:s5] =	ssyncadd.s32 @!p1 $0xFFFFEA60  }
0x48: {  	[tilespmem:s4], [sflag:$0x1] =	stream.linear.gather @!p0 [hbm4b:s3+s4], $0x2A60, $0x38;
	[tilespmem:$0x18000] =	vst v63  }
0x49: {  	s3 =	simm.s32 @!p0 $0x1  }
0x4a: {  	_ =	swait.ge @!p0 [sflag:s3], $0x2A60  }
0x4b: {  	[sflag:s3] =	ssyncset.done @!p0 $0x0  }
.Ltmp3:
0x4c: {  	[sflag:s3] =	ssyncadd.s32 @!p0 $0xFFFFD5A0;
	(pc) =	sbr.rel .LBB2_5-.Ltmp3, $4  }
0x4d: {  	[hbm4b:s2+s4] =	stream.linear.scatter @!p0 [tilespmem:s4], [sflag:$0x1], $0x2A60, $0x38;
	[tilespmem:$0x18000] =	vst v63  }
0x4e: {  	_ =	swait.ge @!p0 [sflag:s3], $0x2A60  }
0x4f: {  	[sflag:s3] =	ssyncset.done @!p0 $0x0  }
0x50: {  	[sflag:s3] =	ssyncadd.s32 @!p0 $0xFFFFD5A0  }
.LBB2_3:
0x51: {  	p0 =	seq.s32 s1, $0x4  }
0x52: {  	s2 =	sadd.s32 @p0 $0x2B4, s7;
	s3 =	simm.s32 @p0 $0x0  }
0x53: {  	[tilespmem:s3], [sflag:$0x1] =	stream.linear.gather @p0 [hbm4b:s2+s3], $0x2A60, $0x38;
	[tilespmem:$0x18000] =	vst v63  }
0x54: {  	s2 =	simm.s32 @p0 $0x1  }
0x55: {  	_ =	swait.ge @p0 [sflag:s2], $0x2A60  }
0x56: {  	[sflag:s2] =	ssyncset.done @p0 $0x0  }
0x57: {  	[sflag:s2] =	ssyncadd.s32 @p0 $0xFFFFD5A0  }
0x58: {  	[hbm4b:s4+s3] =	stream.linear.scatter @p0 [tilespmem:s3], [sflag:$0x1], $0x2A60, $0x38;
	[tilespmem:$0x18000] =	vst v63  }
0x59: {  	p1 =	seq.s32 @!p0 s1, $0x5;
	_ =	swait.ge @p0 [sflag:s2], $0x2A60  }
0x5a: {  	p1 =	por !p1, p0;
	[sflag:s2] =	ssyncset.done @p0 $0x0  }
0x5b: {  	s3 =	simm.s32 @!p1 $0x0;
	[sflag:s2] =	ssyncadd.s32 @p0 $0xFFFFD5A0;
	s2 =	sadd.s32 @!p1 $0x54C, s9  }
0x5c: {  	[tilespmem:s3], [sflag:$0x1] =	stream.linear.gather @!p1 [hbm4b:s2+s3], $0xC000, $0x38;
	[tilespmem:$0x18000] =	vst v63  }
0x5d: {  	s2 =	simm.s32 @!p1 $0x1  }
0x5e: {  	_ =	swait.ge @!p1 [sflag:s2], $0xC000  }
0x5f: {  	[sflag:s2] =	ssyncset.done @!p1 $0x0  }
0x60: {  	s4 =	sadd.s32 @!p1 $0x54C, s4;
	[sflag:s2] =	ssyncadd.s32 @!p1 $0xFFFF4000  }
0x61: {  	[hbm4b:s4+s3] =	stream.linear.scatter @!p1 [tilespmem:s3], [sflag:$0x1], $0xC000, $0x38;
	[tilespmem:$0x18000] =	vst v63  }
0x62: {  	_ =	swait.ge @!p1 [sflag:s2], $0xC000  }
0x63: {  	[sflag:s2] =	ssyncset.done @!p1 $0x0  }
0x64: {  	[sflag:s2] =	ssyncadd.s32 @!p1 $0xFFFF4000  }
.LBB2_5:
0x65: {  	_ =	sfence.sel $0x180000  }
0x66: {  	[bflag:$0x0] =	sbarrier.arrive $0xFFFF  }
0x67: {  	p0 =	sne.s32 s1, $0x0;
	_ =	strace $0x90000047  }
0x68: {  	s0 =	sadd.s32 @!p0 $0x100000, s0;
	[bflag:$0x2] =	sbarrier.arrive $0xFFFF  }
0x69: {  	[sflag:s0] =	ssyncadd.tile.s32 @!p0 $0x1;
	_ =	shalt  }
.Lfunc_end2:
_tile_overlayer_lowered:
.L_overlay_start_2:
0x6a: {  	(tag) =	ssettag $0x2  }
0x6b: {  	s0 =	rddreg [dreg:$0x0];
	s2 =	stileid.u32  }
0x6c: {  	s1 =	rddreg [dreg:$0x1];
	p0 =	sne.s32 s2, $0x0  }
0x6d: {  	s3 =	rddreg [dreg:$0x2];
	[bflag:$0x3] =	sbarrier.arrive $0xFFFF;
	s2 =	simm.s32 @!p0 $0x1C01  }
0x6e: {  	[timem:s3], [sflag:s2] =	dma.local @!p0 [hbm:s0], s1  }
0x6f: {  	s0 =	simm.s32 @!p0 $0x1  }
0x70: {  	_ =	swait.ge @!p0 [sflag:s0], s1  }
0x71: {  	s1 =	ssub.s32 @!p0 $0x0, s1;
	[sflag:s0] =	ssyncset.done @!p0 $0x0  }
0x72: {  	[sflag:s0] =	ssyncadd.s32 @!p0 s1  }
0x73: {  	[bflag:$0x3] =	sbarrier.arrive $0xFFFF  }
0x74: {  	_ =	shalt  }

</sc_bundles>
